<compile_context>
chip_gen: v7x
topology: tpu7x:2x2x1
jax: 0.10.2.dev20260603
libtpu: 0.0.44.dev20260713+nightly
codegen_flags: <defaults>
</compile_context>

<pallas_src>
import jax
import jax.numpy as jnp
from jax import lax
from jax.experimental import pallas as pl
from jax.experimental.pallas import tpu as pltpu
from jax.experimental.pallas import tpu_sc as plsc

_CH = 16384

_GDNUMS = lax.GatherDimensionNumbers(
    offset_dims=(), collapsed_slice_dims=(0,), start_index_map=(0,))


def _shuffle(v, idx):
    return lax.gather(v, idx[:, None], dimension_numbers=_GDNUMS,
                      slice_sizes=(1,),
                      mode=lax.GatherScatterMode.PROMISE_IN_BOUNDS)


def _allsum16(v, idxs):
    for idx in idxs:
        v = v + _shuffle(v, idx)
    return v


def _compute_chunk(xv, mxv, mnv, idxs):
    @plsc.parallel_loop(0, _CH, step=32, unroll=3)
    def _blocks(b):
        v0 = xv[pl.ds(b, 16)]
        v1 = xv[pl.ds(b + 16, 16)]
        e0 = jnp.exp(v0)
        e1 = jnp.exp(v1)
        g0 = jnp.exp(-v0)
        g1 = jnp.exp(-v1)
        re = 1.0 / _allsum16(e0 + e1, idxs)
        rg = 1.0 / _allsum16(g0 + g1, idxs)
        mxv[pl.ds(b, 16)] = e0 * re
        mxv[pl.ds(b + 16, 16)] = e1 * re
        mnv[pl.ds(b, 16)] = g0 * rg
        mnv[pl.ds(b + 16, 16)] = g1 * rg


def _sc_body(x_hbm, out_hbm,
             xv0, xv1, mxv0, mxv1, mnv0, mnv1, si0, si1, so0, so1):
    w = lax.axis_index("s") * 2 + lax.axis_index("c")
    nch = x_hbm.shape[1] // _CH
    lanes = lax.iota(jnp.int32, 16)
    idxs = [lanes ^ (1 << k) for k in range(4)]
    bufs = ((xv0, mxv0, mnv0, si0, so0), (xv1, mxv1, mnv1, si1, so1))

    pltpu.async_copy(x_hbm.at[w, pl.ds(0, _CH)], xv0, si0)
    pltpu.async_copy(x_hbm.at[w, pl.ds(_CH, _CH)], xv1, si1)

    def pair(i, carry):
        k0 = i * 2
        for b in range(2):
            k = k0 + b
            xv, mxv, mnv, si, so = bufs[b]
            off = k * _CH
            pltpu.make_async_copy(
                x_hbm.at[w, pl.ds(off, _CH)], xv, si).wait()

            @pl.when(k >= 2)
            def _():
                pltpu.make_async_copy(
                    mxv, out_hbm.at[w, 0, pl.ds(0, _CH)], so).wait()
                pltpu.make_async_copy(
                    mnv, out_hbm.at[w, 1, pl.ds(0, _CH)], so).wait()

            _compute_chunk(xv, mxv, mnv, idxs)

            pltpu.async_copy(mxv, out_hbm.at[w, 0, pl.ds(off, _CH)], so)
            pltpu.async_copy(mnv, out_hbm.at[w, 1, pl.ds(off, _CH)], so)

            @pl.when(k + 2 < nch)
            def _():
                pltpu.async_copy(
                    x_hbm.at[w, pl.ds(off + 2 * _CH, _CH)], xv, si)
        return carry

    lax.fori_loop(0, nch // 2, pair, 0)

    for xv, mxv, mnv, si, so in bufs:
        pltpu.make_async_copy(mxv, out_hbm.at[w, 0, pl.ds(0, _CH)], so).wait()
        pltpu.make_async_copy(mnv, out_hbm.at[w, 1, pl.ds(0, _CH)], so).wait()


@jax.jit
def kernel(x):
    B, H, S, D = x.shape
    BH = B * H
    SEC = S * D
    x2 = x.reshape(BH, SEC)
    mesh = plsc.VectorSubcoreMesh(core_axis_name="c", subcore_axis_name="s")
    f = pl.kernel(
        _sc_body,
        out_type=jax.ShapeDtypeStruct((BH, 2, SEC), jnp.float32),
        mesh=mesh,
        scratch_types=(
            [pltpu.VMEM((_CH,), jnp.float32) for _ in range(6)]
            + [pltpu.SemaphoreType.DMA for _ in range(4)]
        ),
    )
    out = f(x2)
    return out.reshape(B, H, 2 * SEC)

# --- scband reference (transcript-rebuilt; emitter-appended) ---
"""Pipeline reference for scband-tomaxmin-5025111736790 (READ-ONLY COPY).

The authoritative reference and input builder live on the scoring server;
editing this copy changes nothing except your own understanding.
"""

import jax, jax.numpy as jnp
import numpy as np

BLOCK = 32

def setup_inputs(seed: int = 0) -> dict:
    key = jax.random.key(seed)
    x = jax.random.normal(key, (2, 16, 4096, 128), dtype=jnp.float32)
    return {"x": x}

def reference(x):
    # mode='train' path of tomaxmin.forward (the differentiable branch)
    B, H, S, D = x.shape
    x_reshaped = x.reshape(B, H, S, -1, BLOCK)
    x_max = jax.nn.softmax(x_reshaped, axis=-1)
    x_min = jax.nn.softmax(-x_reshaped, axis=-1)
    x_max = x_max.reshape(B, H, -1)
    x_min = x_min.reshape(B, H, -1)
    return jnp.concatenate((x_max, x_min), axis=-1)

if __name__ == "__main__":
    import jax
    _d = setup_inputs()
    print(jax.jit(kernel)(*tuple(_d.values())))

</pallas_src>

<mosaic_0001>
#map = affine_map<(d0, d1) -> (0, 0)>
#map1 = affine_map<(d0, d1) -> (0, 0, 0)>
module attributes {stable_mosaic.version = 14 : i64} {
  func.func @_sc_body(%arg0: i32, %arg1: i32, %arg2: memref<32x524288xf32, #tpu.memory_space<hbm>>, %arg3: memref<32x2x524288xf32, #tpu.memory_space<hbm>>, %arg4: memref<16384xf32, #tpu.memory_space<vmem>>, %arg5: memref<16384xf32, #tpu.memory_space<vmem>>, %arg6: memref<16384xf32, #tpu.memory_space<vmem>>, %arg7: memref<16384xf32, #tpu.memory_space<vmem>>, %arg8: memref<16384xf32, #tpu.memory_space<vmem>>, %arg9: memref<16384xf32, #tpu.memory_space<vmem>>, %arg10: memref<!tpu.dma_semaphore, #tpu.memory_space<semaphore_mem>>, %arg11: memref<!tpu.dma_semaphore, #tpu.memory_space<semaphore_mem>>, %arg12: memref<!tpu.dma_semaphore, #tpu.memory_space<semaphore_mem>>, %arg13: memref<!tpu.dma_semaphore, #tpu.memory_space<semaphore_mem>>) attributes {dimension_semantics = [#tpu.dimension_semantics<core_parallel>, #tpu.dimension_semantics<subcore_parallel>], iteration_bounds = array<i64: 2, 16>, scalar_prefetch = 0 : i64, scratch_operands = 10 : i64, tpu.core_type = #tpu.core_type<sc_vector_subcore>, window_params = [{transform_indices = #map}, {transform_indices = #map1}]} {
    %mul3A = arith.constant 2 : i32
    %mul3A_0 = arith.muli %arg1, %mul3A : i32
    %add3A = arith.addi %mul3A_0, %arg0 : i32
    %iota3A = tpu.iota {dimensions = array<i32: 0>} : vector<16xi32>
    %xor3A = arith.constant 1 : i32
    %xor3A_1 = vector.broadcast %xor3A : i32 to vector<16xi32>
    %xor3A_2 = arith.xori %iota3A, %xor3A_1 : vector<16xi32>
    %xor3A_3 = arith.constant 2 : i32
    %xor3A_4 = vector.broadcast %xor3A_3 : i32 to vector<16xi32>
    %xor3A_5 = arith.xori %iota3A, %xor3A_4 : vector<16xi32>
    %xor3A_6 = arith.constant 4 : i32
    %xor3A_7 = vector.broadcast %xor3A_6 : i32 to vector<16xi32>
    %xor3A_8 = arith.xori %iota3A, %xor3A_7 : vector<16xi32>
    %xor3A_9 = arith.constant 8 : i32
    %xor3A_10 = vector.broadcast %xor3A_9 : i32 to vector<16xi32>
    %xor3A_11 = arith.xori %iota3A, %xor3A_10 : vector<16xi32>
    %dma_start3A = arith.constant 0 : i32
    %dma_start3A_12 = tpu.memref_slice %arg2[%add3A, %dma_start3A] : memref<32x524288xf32, #tpu.memory_space<hbm>> -> memref<1x16384xf32, #tpu.memory_space<hbm>>
    %dma_start3A_13 = tpu.memref_squeeze %dma_start3A_12 : memref<1x16384xf32, #tpu.memory_space<hbm>> -> memref<16384xf32, #tpu.memory_space<hbm>>
    %dma_start3A_14 = arith.constant 0 : i32
    %dma_start3A_15 = tpu.memref_slice %arg2[%add3A, %dma_start3A_14] : memref<32x524288xf32, #tpu.memory_space<hbm>> -> memref<1x16384xf32, #tpu.memory_space<hbm>>
    %dma_start3A_16 = tpu.memref_squeeze %dma_start3A_15 : memref<1x16384xf32, #tpu.memory_space<hbm>> -> memref<16384xf32, #tpu.memory_space<hbm>>
    tpu.enqueue_dma source(%dma_start3A_16 : memref<16384xf32, #tpu.memory_space<hbm>>) target(%arg4 : memref<16384xf32, #tpu.memory_space<vmem>>) target_semaphore(%arg10 : memref<!tpu.dma_semaphore, #tpu.memory_space<semaphore_mem>>)
    %dma_start3A_17 = arith.constant 16384 : i32
    %dma_start3A_18 = tpu.memref_slice %arg2[%add3A, %dma_start3A_17] : memref<32x524288xf32, #tpu.memory_space<hbm>> -> memref<1x16384xf32, #tpu.memory_space<hbm>>
    %dma_start3A_19 = tpu.memref_squeeze %dma_start3A_18 : memref<1x16384xf32, #tpu.memory_space<hbm>> -> memref<16384xf32, #tpu.memory_space<hbm>>
    %dma_start3A_20 = arith.constant 16384 : i32
    %dma_start3A_21 = tpu.memref_slice %arg2[%add3A, %dma_start3A_20] : memref<32x524288xf32, #tpu.memory_space<hbm>> -> memref<1x16384xf32, #tpu.memory_space<hbm>>
    %dma_start3A_22 = tpu.memref_squeeze %dma_start3A_21 : memref<1x16384xf32, #tpu.memory_space<hbm>> -> memref<16384xf32, #tpu.memory_space<hbm>>
    tpu.enqueue_dma source(%dma_start3A_22 : memref<16384xf32, #tpu.memory_space<hbm>>) target(%arg5 : memref<16384xf32, #tpu.memory_space<vmem>>) target_semaphore(%arg11 : memref<!tpu.dma_semaphore, #tpu.memory_space<semaphore_mem>>)
    %scan3A = arith.constant 0 : i32
    %scan3A_23 = arith.constant 0 : i32
    %scan3A_24 = arith.constant 16 : i32
    %scan3A_25 = arith.addi %scan3A_23, %scan3A_24 : i32
    %scan3A_26 = arith.constant 1 : i32
    scf.for %scan3A_55 = %scan3A_23 to %scan3A_25 step %scan3A_26  : i32 {
      %mul3A_56 = arith.constant 2 : i32
      %mul3A_57 = arith.muli %scan3A_55, %mul3A_56 : i32
      %add3A_58 = arith.constant 0 : i32
      %add3A_59 = arith.addi %mul3A_57, %add3A_58 : i32
      %mul3A_60 = arith.constant 16384 : i32
      %mul3A_61 = arith.muli %add3A_59, %mul3A_60 : i32
      %dma_wait3A_62 = tpu.memref_slice %arg2[%add3A, %mul3A_61] : memref<32x524288xf32, #tpu.memory_space<hbm>> -> memref<1x16384xf32, #tpu.memory_space<hbm>>
      %dma_wait3A_63 = tpu.memref_squeeze %dma_wait3A_62 : memref<1x16384xf32, #tpu.memory_space<hbm>> -> memref<16384xf32, #tpu.memory_space<hbm>>
      %dma_wait3A_64 = tpu.memref_slice %arg2[%add3A, %mul3A_61] : memref<32x524288xf32, #tpu.memory_space<hbm>> -> memref<1x16384xf32, #tpu.memory_space<hbm>>
      %dma_wait3A_65 = tpu.memref_squeeze %dma_wait3A_64 : memref<1x16384xf32, #tpu.memory_space<hbm>> -> memref<16384xf32, #tpu.memory_space<hbm>>
      tpu.wait_dma2 semaphore(%arg10 : memref<!tpu.dma_semaphore, #tpu.memory_space<semaphore_mem>>) src(%dma_wait3A_65 : memref<16384xf32, #tpu.memory_space<hbm>>) dst(%arg4 : memref<16384xf32, #tpu.memory_space<vmem>>)
      %ge3A = arith.constant 2 : i32
      %ge3A_66 = arith.cmpi sge, %add3A_59, %ge3A : i32
      %convert_element_type3A = arith.extui %ge3A_66 : i1 to i32
      %cond3A = arith.constant 0 : i32
      %cond3A_67 = arith.cmpi ne, %convert_element_type3A, %cond3A : i32
      scf.if %cond3A_67 {
        %dma_wait3A_119 = arith.constant 0 : i32
        %dma_wait3A_120 = arith.constant 0 : i32
        %dma_wait3A_121 = tpu.memref_slice %arg3[%add3A, %dma_wait3A_119, %dma_wait3A_120] : memref<32x2x524288xf32, #tpu.memory_space<hbm>> -> memref<1x1x16384xf32, #tpu.memory_space<hbm>>
        %dma_wait3A_122 = tpu.memref_squeeze %dma_wait3A_121 : memref<1x1x16384xf32, #tpu.memory_space<hbm>> -> memref<16384xf32, #tpu.memory_space<hbm>>
        %dma_wait3A_123 = arith.constant 0 : i32
        %dma_wait3A_124 = tpu.memref_slice %arg3[%add3A, %dma_wait3A_119, %dma_wait3A_123] : memref<32x2x524288xf32, #tpu.memory_space<hbm>> -> memref<1x1x16384xf32, #tpu.memory_space<hbm>>
        %dma_wait3A_125 = tpu.memref_squeeze %dma_wait3A_124 : memref<1x1x16384xf32, #tpu.memory_space<hbm>> -> memref<16384xf32, #tpu.memory_space<hbm>>
        tpu.wait_dma2 semaphore(%arg12 : memref<!tpu.dma_semaphore, #tpu.memory_space<semaphore_mem>>) src(%arg6 : memref<16384xf32, #tpu.memory_space<vmem>>) dst(%dma_wait3A_125 : memref<16384xf32, #tpu.memory_space<hbm>>)
        %dma_wait3A_126 = arith.constant 1 : i32
        %dma_wait3A_127 = arith.constant 0 : i32
        %dma_wait3A_128 = tpu.memref_slice %arg3[%add3A, %dma_wait3A_126, %dma_wait3A_127] : memref<32x2x524288xf32, #tpu.memory_space<hbm>> -> memref<1x1x16384xf32, #tpu.memory_space<hbm>>
        %dma_wait3A_129 = tpu.memref_squeeze %dma_wait3A_128 : memref<1x1x16384xf32, #tpu.memory_space<hbm>> -> memref<16384xf32, #tpu.memory_space<hbm>>
        %dma_wait3A_130 = arith.constant 0 : i32
        %dma_wait3A_131 = tpu.memref_slice %arg3[%add3A, %dma_wait3A_126, %dma_wait3A_130] : memref<32x2x524288xf32, #tpu.memory_space<hbm>> -> memref<1x1x16384xf32, #tpu.memory_space<hbm>>
        %dma_wait3A_132 = tpu.memref_squeeze %dma_wait3A_131 : memref<1x1x16384xf32, #tpu.memory_space<hbm>> -> memref<16384xf32, #tpu.memory_space<hbm>>
        tpu.wait_dma2 semaphore(%arg12 : memref<!tpu.dma_semaphore, #tpu.memory_space<semaphore_mem>>) src(%arg8 : memref<16384xf32, #tpu.memory_space<vmem>>) dst(%dma_wait3A_132 : memref<16384xf32, #tpu.memory_space<hbm>>)
      } else {
      }
      %parallel_loop3A = arith.constant 0 : i32
      %parallel_loop3A_68 = arith.constant 16384 : i32
      %parallel_loop3A_69 = arith.constant 32 : i32
      scf.for %parallel_loop3A_119 = %parallel_loop3A to %parallel_loop3A_68 step %parallel_loop3A_69  : i32 {
        %parallel_loop3A_120 = arith.index_cast %parallel_loop3A_119 : i32 to index
        %parallel_loop3A_121 = tpu.vector_load %arg4[%parallel_loop3A_120] {strides = array<i32>} : memref<16384xf32, #tpu.memory_space<vmem>>, vector<16xf32>,
        %parallel_loop3A_122 = vector.shape_cast %parallel_loop3A_121 : vector<16xf32> to vector<16xf32>
        %parallel_loop3A_123 = arith.constant 16 : i32
        %parallel_loop3A_124 = arith.addi %parallel_loop3A_119, %parallel_loop3A_123 : i32
        %parallel_loop3A_125 = arith.index_cast %parallel_loop3A_124 : i32 to index
        %parallel_loop3A_126 = tpu.vector_load %arg4[%parallel_loop3A_125] {strides = array<i32>} : memref<16384xf32, #tpu.memory_space<vmem>>, vector<16xf32>,
        %parallel_loop3A_127 = vector.shape_cast %parallel_loop3A_126 : vector<16xf32> to vector<16xf32>
        %parallel_loop3A_128 = math.exp %parallel_loop3A_122 : vector<16xf32>
        %parallel_loop3A_129 = math.exp %parallel_loop3A_127 : vector<16xf32>
        %parallel_loop3A_130 = arith.constant 0.000000e+00 : f32
        %parallel_loop3A_131 = vector.broadcast %parallel_loop3A_130 : f32 to vector<16xf32>
        %parallel_loop3A_132 = arith.subf %parallel_loop3A_131, %parallel_loop3A_122 : vector<16xf32>
        %parallel_loop3A_133 = math.exp %parallel_loop3A_132 : vector<16xf32>
        %parallel_loop3A_134 = arith.constant 0.000000e+00 : f32
        %parallel_loop3A_135 = vector.broadcast %parallel_loop3A_134 : f32 to vector<16xf32>
        %parallel_loop3A_136 = arith.subf %parallel_loop3A_135, %parallel_loop3A_127 : vector<16xf32>
        %parallel_loop3A_137 = math.exp %parallel_loop3A_136 : vector<16xf32>
        %parallel_loop3A_138 = arith.addf %parallel_loop3A_128, %parallel_loop3A_129 : vector<16xf32>
        %parallel_loop3A_139 = vector.shape_cast %xor3A_2 : vector<16xi32> to vector<16x1xi32>
        %parallel_loop3A_140 = vector.shape_cast %parallel_loop3A_139 : vector<16x1xi32> to vector<16xi32>
        %parallel_loop3A_141 = tpu.dynamic_gather %parallel_loop3A_138[%parallel_loop3A_140] in [0] : vector<16xf32>, vector<16xi32> -> vector<16xf32>
        %parallel_loop3A_142 = arith.addf %parallel_loop3A_138, %parallel_loop3A_141 : vector<16xf32>
        %parallel_loop3A_143 = vector.shape_cast %xor3A_5 : vector<16xi32> to vector<16x1xi32>
        %parallel_loop3A_144 = vector.shape_cast %parallel_loop3A_143 : vector<16x1xi32> to vector<16xi32>
        %parallel_loop3A_145 = tpu.dynamic_gather %parallel_loop3A_142[%parallel_loop3A_144] in [0] : vector<16xf32>, vector<16xi32> -> vector<16xf32>
        %parallel_loop3A_146 = arith.addf %parallel_loop3A_142, %parallel_loop3A_145 : vector<16xf32>
        %parallel_loop3A_147 = vector.shape_cast %xor3A_8 : vector<16xi32> to vector<16x1xi32>
        %parallel_loop3A_148 = vector.shape_cast %parallel_loop3A_147 : vector<16x1xi32> to vector<16xi32>
        %parallel_loop3A_149 = tpu.dynamic_gather %parallel_loop3A_146[%parallel_loop3A_148] in [0] : vector<16xf32>, vector<16xi32> -> vector<16xf32>
        %parallel_loop3A_150 = arith.addf %parallel_loop3A_146, %parallel_loop3A_149 : vector<16xf32>
        %parallel_loop3A_151 = vector.shape_cast %xor3A_11 : vector<16xi32> to vector<16x1xi32>
        %parallel_loop3A_152 = vector.shape_cast %parallel_loop3A_151 : vector<16x1xi32> to vector<16xi32>
        %parallel_loop3A_153 = tpu.dynamic_gather %parallel_loop3A_150[%parallel_loop3A_152] in [0] : vector<16xf32>, vector<16xi32> -> vector<16xf32>
        %parallel_loop3A_154 = arith.addf %parallel_loop3A_150, %parallel_loop3A_153 : vector<16xf32>
        %parallel_loop3A_155 = arith.constant 1.000000e+00 : f32
        %parallel_loop3A_156 = vector.broadcast %parallel_loop3A_155 : f32 to vector<16xf32>
        %parallel_loop3A_157 = arith.divf %parallel_loop3A_156, %parallel_loop3A_154 : vector<16xf32>
        %parallel_loop3A_158 = arith.addf %parallel_loop3A_133, %parallel_loop3A_137 : vector<16xf32>
        %parallel_loop3A_159 = vector.shape_cast %xor3A_2 : vector<16xi32> to vector<16x1xi32>
        %parallel_loop3A_160 = vector.shape_cast %parallel_loop3A_159 : vector<16x1xi32> to vector<16xi32>
        %parallel_loop3A_161 = tpu.dynamic_gather %parallel_loop3A_158[%parallel_loop3A_160] in [0] : vector<16xf32>, vector<16xi32> -> vector<16xf32>
        %parallel_loop3A_162 = arith.addf %parallel_loop3A_158, %parallel_loop3A_161 : vector<16xf32>
        %parallel_loop3A_163 = vector.shape_cast %xor3A_5 : vector<16xi32> to vector<16x1xi32>
        %parallel_loop3A_164 = vector.shape_cast %parallel_loop3A_163 : vector<16x1xi32> to vector<16xi32>
        %parallel_loop3A_165 = tpu.dynamic_gather %parallel_loop3A_162[%parallel_loop3A_164] in [0] : vector<16xf32>, vector<16xi32> -> vector<16xf32>
        %parallel_loop3A_166 = arith.addf %parallel_loop3A_162, %parallel_loop3A_165 : vector<16xf32>
        %parallel_loop3A_167 = vector.shape_cast %xor3A_8 : vector<16xi32> to vector<16x1xi32>
        %parallel_loop3A_168 = vector.shape_cast %parallel_loop3A_167 : vector<16x1xi32> to vector<16xi32>
        %parallel_loop3A_169 = tpu.dynamic_gather %parallel_loop3A_166[%parallel_loop3A_168] in [0] : vector<16xf32>, vector<16xi32> -> vector<16xf32>
        %parallel_loop3A_170 = arith.addf %parallel_loop3A_166, %parallel_loop3A_169 : vector<16xf32>
        %parallel_loop3A_171 = vector.shape_cast %xor3A_11 : vector<16xi32> to vector<16x1xi32>
        %parallel_loop3A_172 = vector.shape_cast %parallel_loop3A_171 : vector<16x1xi32> to vector<16xi32>
        %parallel_loop3A_173 = tpu.dynamic_gather %parallel_loop3A_170[%parallel_loop3A_172] in [0] : vector<16xf32>, vector<16xi32> -> vector<16xf32>
        %parallel_loop3A_174 = arith.addf %parallel_loop3A_170, %parallel_loop3A_173 : vector<16xf32>
        %parallel_loop3A_175 = arith.constant 1.000000e+00 : f32
        %parallel_loop3A_176 = vector.broadcast %parallel_loop3A_175 : f32 to vector<16xf32>
        %parallel_loop3A_177 = arith.divf %parallel_loop3A_176, %parallel_loop3A_174 : vector<16xf32>
        %parallel_loop3A_178 = arith.mulf %parallel_loop3A_128, %parallel_loop3A_157 : vector<16xf32>
        %parallel_loop3A_179 = arith.index_cast %parallel_loop3A_119 : i32 to index
        %parallel_loop3A_180 = tpu.vector_load %arg6[%parallel_loop3A_179] {strides = array<i32>} : memref<16384xf32, #tpu.memory_space<vmem>>, vector<16xf32>,
        %parallel_loop3A_181 = vector.shape_cast %parallel_loop3A_180 : vector<16xf32> to vector<16xf32>
        %parallel_loop3A_182 = vector.shape_cast %parallel_loop3A_178 : vector<16xf32> to vector<16xf32>
        tpu.vector_store %arg6[%parallel_loop3A_179], %parallel_loop3A_182 {strides = array<i32>} : memref<16384xf32, #tpu.memory_space<vmem>>, vector<16xf32>,
        %parallel_loop3A_183 = arith.mulf %parallel_loop3A_129, %parallel_loop3A_157 : vector<16xf32>
        %parallel_loop3A_184 = arith.constant 16 : i32
        %parallel_loop3A_185 = arith.addi %parallel_loop3A_119, %parallel_loop3A_184 : i32
        %parallel_loop3A_186 = arith.index_cast %parallel_loop3A_185 : i32 to index
        %parallel_loop3A_187 = tpu.vector_load %arg6[%parallel_loop3A_186] {strides = array<i32>} : memref<16384xf32, #tpu.memory_space<vmem>>, vector<16xf32>,
        %parallel_loop3A_188 = vector.shape_cast %parallel_loop3A_187 : vector<16xf32> to vector<16xf32>
        %parallel_loop3A_189 = vector.shape_cast %parallel_loop3A_183 : vector<16xf32> to vector<16xf32>
        tpu.vector_store %arg6[%parallel_loop3A_186], %parallel_loop3A_189 {strides = array<i32>} : memref<16384xf32, #tpu.memory_space<vmem>>, vector<16xf32>,
        %parallel_loop3A_190 = arith.mulf %parallel_loop3A_133, %parallel_loop3A_177 : vector<16xf32>
        %parallel_loop3A_191 = arith.index_cast %parallel_loop3A_119 : i32 to index
        %parallel_loop3A_192 = tpu.vector_load %arg8[%parallel_loop3A_191] {strides = array<i32>} : memref<16384xf32, #tpu.memory_space<vmem>>, vector<16xf32>,
        %parallel_loop3A_193 = vector.shape_cast %parallel_loop3A_192 : vector<16xf32> to vector<16xf32>
        %parallel_loop3A_194 = vector.shape_cast %parallel_loop3A_190 : vector<16xf32> to vector<16xf32>
        tpu.vector_store %arg8[%parallel_loop3A_191], %parallel_loop3A_194 {strides = array<i32>} : memref<16384xf32, #tpu.memory_space<vmem>>, vector<16xf32>,
        %parallel_loop3A_195 = arith.mulf %parallel_loop3A_137, %parallel_loop3A_177 : vector<16xf32>
        %parallel_loop3A_196 = arith.constant 16 : i32
        %parallel_loop3A_197 = arith.addi %parallel_loop3A_119, %parallel_loop3A_196 : i32
        %parallel_loop3A_198 = arith.index_cast %parallel_loop3A_197 : i32 to index
        %parallel_loop3A_199 = tpu.vector_load %arg8[%parallel_loop3A_198] {strides = array<i32>} : memref<16384xf32, #tpu.memory_space<vmem>>, vector<16xf32>,
        %parallel_loop3A_200 = vector.shape_cast %parallel_loop3A_199 : vector<16xf32> to vector<16xf32>
        %parallel_loop3A_201 = vector.shape_cast %parallel_loop3A_195 : vector<16xf32> to vector<16xf32>
        tpu.vector_store %arg8[%parallel_loop3A_198], %parallel_loop3A_201 {strides = array<i32>} : memref<16384xf32, #tpu.memory_space<vmem>>, vector<16xf32>,
      } {sc.loop_unroll_factor = 3 : i64, sc.parallel_access}
      %dma_start3A_70 = arith.constant 0 : i32
      %dma_start3A_71 = tpu.memref_slice %arg3[%add3A, %dma_start3A_70, %mul3A_61] : memref<32x2x524288xf32, #tpu.memory_space<hbm>> -> memref<1x1x16384xf32, #tpu.memory_space<hbm>>
      %dma_start3A_72 = tpu.memref_squeeze %dma_start3A_71 : memref<1x1x16384xf32, #tpu.memory_space<hbm>> -> memref<16384xf32, #tpu.memory_space<hbm>>
      %dma_start3A_73 = tpu.memref_slice %arg3[%add3A, %dma_start3A_70, %mul3A_61] : memref<32x2x524288xf32, #tpu.memory_space<hbm>> -> memref<1x1x16384xf32, #tpu.memory_space<hbm>>
      %dma_start3A_74 = tpu.memref_squeeze %dma_start3A_73 : memref<1x1x16384xf32, #tpu.memory_space<hbm>> -> memref<16384xf32, #tpu.memory_space<hbm>>
      tpu.enqueue_dma source(%arg6 : memref<16384xf32, #tpu.memory_space<vmem>>) target(%dma_start3A_74 : memref<16384xf32, #tpu.memory_space<hbm>>) target_semaphore(%arg12 : memref<!tpu.dma_semaphore, #tpu.memory_space<semaphore_mem>>)
      %dma_start3A_75 = arith.constant 1 : i32
      %dma_start3A_76 = tpu.memref_slice %arg3[%add3A, %dma_start3A_75, %mul3A_61] : memref<32x2x524288xf32, #tpu.memory_space<hbm>> -> memref<1x1x16384xf32, #tpu.memory_space<hbm>>
      %dma_start3A_77 = tpu.memref_squeeze %dma_start3A_76 : memref<1x1x16384xf32, #tpu.memory_space<hbm>> -> memref<16384xf32, #tpu.memory_space<hbm>>
      %dma_start3A_78 = tpu.memref_slice %arg3[%add3A, %dma_start3A_75, %mul3A_61] : memref<32x2x524288xf32, #tpu.memory_space<hbm>> -> memref<1x1x16384xf32, #tpu.memory_space<hbm>>
      %dma_start3A_79 = tpu.memref_squeeze %dma_start3A_78 : memref<1x1x16384xf32, #tpu.memory_space<hbm>> -> memref<16384xf32, #tpu.memory_space<hbm>>
      tpu.enqueue_dma source(%arg8 : memref<16384xf32, #tpu.memory_space<vmem>>) target(%dma_start3A_79 : memref<16384xf32, #tpu.memory_space<hbm>>) target_semaphore(%arg12 : memref<!tpu.dma_semaphore, #tpu.memory_space<semaphore_mem>>)
      %add3A_80 = arith.constant 2 : i32
      %add3A_81 = arith.addi %add3A_59, %add3A_80 : i32
      %lt3A = arith.constant 32 : i32
      %lt3A_82 = arith.cmpi slt, %add3A_81, %lt3A : i32
      %convert_element_type3A_83 = arith.extui %lt3A_82 : i1 to i32
      %cond3A_84 = arith.constant 0 : i32
      %cond3A_85 = arith.cmpi ne, %convert_element_type3A_83, %cond3A_84 : i32
      scf.if %cond3A_85 {
        %add3A_119 = arith.constant 32768 : i32
        %add3A_120 = arith.addi %mul3A_61, %add3A_119 : i32
        %dma_start3A_121 = tpu.memref_slice %arg2[%add3A, %add3A_120] : memref<32x524288xf32, #tpu.memory_space<hbm>> -> memref<1x16384xf32, #tpu.memory_space<hbm>>
        %dma_start3A_122 = tpu.memref_squeeze %dma_start3A_121 : memref<1x16384xf32, #tpu.memory_space<hbm>> -> memref<16384xf32, #tpu.memory_space<hbm>>
        %dma_start3A_123 = tpu.memref_slice %arg2[%add3A, %add3A_120] : memref<32x524288xf32, #tpu.memory_space<hbm>> -> memref<1x16384xf32, #tpu.memory_space<hbm>>
        %dma_start3A_124 = tpu.memref_squeeze %dma_start3A_123 : memref<1x16384xf32, #tpu.memory_space<hbm>> -> memref<16384xf32, #tpu.memory_space<hbm>>
        tpu.enqueue_dma source(%dma_start3A_124 : memref<16384xf32, #tpu.memory_space<hbm>>) target(%arg4 : memref<16384xf32, #tpu.memory_space<vmem>>) target_semaphore(%arg10 : memref<!tpu.dma_semaphore, #tpu.memory_space<semaphore_mem>>)
      } else {
      }
      %add3A_86 = arith.constant 1 : i32
      %add3A_87 = arith.addi %mul3A_57, %add3A_86 : i32
      %mul3A_88 = arith.constant 16384 : i32
      %mul3A_89 = arith.muli %add3A_87, %mul3A_88 : i32
      %dma_wait3A_90 = tpu.memref_slice %arg2[%add3A, %mul3A_89] : memref<32x524288xf32, #tpu.memory_space<hbm>> -> memref<1x16384xf32, #tpu.memory_space<hbm>>
      %dma_wait3A_91 = tpu.memref_squeeze %dma_wait3A_90 : memref<1x16384xf32, #tpu.memory_space<hbm>> -> memref<16384xf32, #tpu.memory_space<hbm>>
      %dma_wait3A_92 = tpu.memref_slice %arg2[%add3A, %mul3A_89] : memref<32x524288xf32, #tpu.memory_space<hbm>> -> memref<1x16384xf32, #tpu.memory_space<hbm>>
      %dma_wait3A_93 = tpu.memref_squeeze %dma_wait3A_92 : memref<1x16384xf32, #tpu.memory_space<hbm>> -> memref<16384xf32, #tpu.memory_space<hbm>>
      tpu.wait_dma2 semaphore(%arg11 : memref<!tpu.dma_semaphore, #tpu.memory_space<semaphore_mem>>) src(%dma_wait3A_93 : memref<16384xf32, #tpu.memory_space<hbm>>) dst(%arg5 : memref<16384xf32, #tpu.memory_space<vmem>>)
      %ge3A_94 = arith.constant 2 : i32
      %ge3A_95 = arith.cmpi sge, %add3A_87, %ge3A_94 : i32
      %convert_element_type3A_96 = arith.extui %ge3A_95 : i1 to i32
      %cond3A_97 = arith.constant 0 : i32
      %cond3A_98 = arith.cmpi ne, %convert_element_type3A_96, %cond3A_97 : i32
      scf.if %cond3A_98 {
        %dma_wait3A_119 = arith.constant 0 : i32
        %dma_wait3A_120 = arith.constant 0 : i32
        %dma_wait3A_121 = tpu.memref_slice %arg3[%add3A, %dma_wait3A_119, %dma_wait3A_120] : memref<32x2x524288xf32, #tpu.memory_space<hbm>> -> memref<1x1x16384xf32, #tpu.memory_space<hbm>>
        %dma_wait3A_122 = tpu.memref_squeeze %dma_wait3A_121 : memref<1x1x16384xf32, #tpu.memory_space<hbm>> -> memref<16384xf32, #tpu.memory_space<hbm>>
        %dma_wait3A_123 = arith.constant 0 : i32
        %dma_wait3A_124 = tpu.memref_slice %arg3[%add3A, %dma_wait3A_119, %dma_wait3A_123] : memref<32x2x524288xf32, #tpu.memory_space<hbm>> -> memref<1x1x16384xf32, #tpu.memory_space<hbm>>
        %dma_wait3A_125 = tpu.memref_squeeze %dma_wait3A_124 : memref<1x1x16384xf32, #tpu.memory_space<hbm>> -> memref<16384xf32, #tpu.memory_space<hbm>>
        tpu.wait_dma2 semaphore(%arg13 : memref<!tpu.dma_semaphore, #tpu.memory_space<semaphore_mem>>) src(%arg7 : memref<16384xf32, #tpu.memory_space<vmem>>) dst(%dma_wait3A_125 : memref<16384xf32, #tpu.memory_space<hbm>>)
        %dma_wait3A_126 = arith.constant 1 : i32
        %dma_wait3A_127 = arith.constant 0 : i32
        %dma_wait3A_128 = tpu.memref_slice %arg3[%add3A, %dma_wait3A_126, %dma_wait3A_127] : memref<32x2x524288xf32, #tpu.memory_space<hbm>> -> memref<1x1x16384xf32, #tpu.memory_space<hbm>>
        %dma_wait3A_129 = tpu.memref_squeeze %dma_wait3A_128 : memref<1x1x16384xf32, #tpu.memory_space<hbm>> -> memref<16384xf32, #tpu.memory_space<hbm>>
        %dma_wait3A_130 = arith.constant 0 : i32
        %dma_wait3A_131 = tpu.memref_slice %arg3[%add3A, %dma_wait3A_126, %dma_wait3A_130] : memref<32x2x524288xf32, #tpu.memory_space<hbm>> -> memref<1x1x16384xf32, #tpu.memory_space<hbm>>
        %dma_wait3A_132 = tpu.memref_squeeze %dma_wait3A_131 : memref<1x1x16384xf32, #tpu.memory_space<hbm>> -> memref<16384xf32, #tpu.memory_space<hbm>>
        tpu.wait_dma2 semaphore(%arg13 : memref<!tpu.dma_semaphore, #tpu.memory_space<semaphore_mem>>) src(%arg9 : memref<16384xf32, #tpu.memory_space<vmem>>) dst(%dma_wait3A_132 : memref<16384xf32, #tpu.memory_space<hbm>>)
      } else {
      }
      %parallel_loop3A_99 = arith.constant 0 : i32
      %parallel_loop3A_100 = arith.constant 16384 : i32
      %parallel_loop3A_101 = arith.constant 32 : i32
      scf.for %parallel_loop3A_119 = %parallel_loop3A_99 to %parallel_loop3A_100 step %parallel_loop3A_101  : i32 {
        %parallel_loop3A_120 = arith.index_cast %parallel_loop3A_119 : i32 to index
        %parallel_loop3A_121 = tpu.vector_load %arg5[%parallel_loop3A_120] {strides = array<i32>} : memref<16384xf32, #tpu.memory_space<vmem>>, vector<16xf32>,
        %parallel_loop3A_122 = vector.shape_cast %parallel_loop3A_121 : vector<16xf32> to vector<16xf32>
        %parallel_loop3A_123 = arith.constant 16 : i32
        %parallel_loop3A_124 = arith.addi %parallel_loop3A_119, %parallel_loop3A_123 : i32
        %parallel_loop3A_125 = arith.index_cast %parallel_loop3A_124 : i32 to index
        %parallel_loop3A_126 = tpu.vector_load %arg5[%parallel_loop3A_125] {strides = array<i32>} : memref<16384xf32, #tpu.memory_space<vmem>>, vector<16xf32>,
        %parallel_loop3A_127 = vector.shape_cast %parallel_loop3A_126 : vector<16xf32> to vector<16xf32>
        %parallel_loop3A_128 = math.exp %parallel_loop3A_122 : vector<16xf32>
        %parallel_loop3A_129 = math.exp %parallel_loop3A_127 : vector<16xf32>
        %parallel_loop3A_130 = arith.constant 0.000000e+00 : f32
        %parallel_loop3A_131 = vector.broadcast %parallel_loop3A_130 : f32 to vector<16xf32>
        %parallel_loop3A_132 = arith.subf %parallel_loop3A_131, %parallel_loop3A_122 : vector<16xf32>
        %parallel_loop3A_133 = math.exp %parallel_loop3A_132 : vector<16xf32>
        %parallel_loop3A_134 = arith.constant 0.000000e+00 : f32
        %parallel_loop3A_135 = vector.broadcast %parallel_loop3A_134 : f32 to vector<16xf32>
        %parallel_loop3A_136 = arith.subf %parallel_loop3A_135, %parallel_loop3A_127 : vector<16xf32>
        %parallel_loop3A_137 = math.exp %parallel_loop3A_136 : vector<16xf32>
        %parallel_loop3A_138 = arith.addf %parallel_loop3A_128, %parallel_loop3A_129 : vector<16xf32>
        %parallel_loop3A_139 = vector.shape_cast %xor3A_2 : vector<16xi32> to vector<16x1xi32>
        %parallel_loop3A_140 = vector.shape_cast %parallel_loop3A_139 : vector<16x1xi32> to vector<16xi32>
        %parallel_loop3A_141 = tpu.dynamic_gather %parallel_loop3A_138[%parallel_loop3A_140] in [0] : vector<16xf32>, vector<16xi32> -> vector<16xf32>
        %parallel_loop3A_142 = arith.addf %parallel_loop3A_138, %parallel_loop3A_141 : vector<16xf32>
        %parallel_loop3A_143 = vector.shape_cast %xor3A_5 : vector<16xi32> to vector<16x1xi32>
        %parallel_loop3A_144 = vector.shape_cast %parallel_loop3A_143 : vector<16x1xi32> to vector<16xi32>
        %parallel_loop3A_145 = tpu.dynamic_gather %parallel_loop3A_142[%parallel_loop3A_144] in [0] : vector<16xf32>, vector<16xi32> -> vector<16xf32>
        %parallel_loop3A_146 = arith.addf %parallel_loop3A_142, %parallel_loop3A_145 : vector<16xf32>
        %parallel_loop3A_147 = vector.shape_cast %xor3A_8 : vector<16xi32> to vector<16x1xi32>
        %parallel_loop3A_148 = vector.shape_cast %parallel_loop3A_147 : vector<16x1xi32> to vector<16xi32>
        %parallel_loop3A_149 = tpu.dynamic_gather %parallel_loop3A_146[%parallel_loop3A_148] in [0] : vector<16xf32>, vector<16xi32> -> vector<16xf32>
        %parallel_loop3A_150 = arith.addf %parallel_loop3A_146, %parallel_loop3A_149 : vector<16xf32>
        %parallel_loop3A_151 = vector.shape_cast %xor3A_11 : vector<16xi32> to vector<16x1xi32>
        %parallel_loop3A_152 = vector.shape_cast %parallel_loop3A_151 : vector<16x1xi32> to vector<16xi32>
        %parallel_loop3A_153 = tpu.dynamic_gather %parallel_loop3A_150[%parallel_loop3A_152] in [0] : vector<16xf32>, vector<16xi32> -> vector<16xf32>
        %parallel_loop3A_154 = arith.addf %parallel_loop3A_150, %parallel_loop3A_153 : vector<16xf32>
        %parallel_loop3A_155 = arith.constant 1.000000e+00 : f32
        %parallel_loop3A_156 = vector.broadcast %parallel_loop3A_155 : f32 to vector<16xf32>
        %parallel_loop3A_157 = arith.divf %parallel_loop3A_156, %parallel_loop3A_154 : vector<16xf32>
        %parallel_loop3A_158 = arith.addf %parallel_loop3A_133, %parallel_loop3A_137 : vector<16xf32>
        %parallel_loop3A_159 = vector.shape_cast %xor3A_2 : vector<16xi32> to vector<16x1xi32>
        %parallel_loop3A_160 = vector.shape_cast %parallel_loop3A_159 : vector<16x1xi32> to vector<16xi32>
        %parallel_loop3A_161 = tpu.dynamic_gather %parallel_loop3A_158[%parallel_loop3A_160] in [0] : vector<16xf32>, vector<16xi32> -> vector<16xf32>
        %parallel_loop3A_162 = arith.addf %parallel_loop3A_158, %parallel_loop3A_161 : vector<16xf32>
        %parallel_loop3A_163 = vector.shape_cast %xor3A_5 : vector<16xi32> to vector<16x1xi32>
        %parallel_loop3A_164 = vector.shape_cast %parallel_loop3A_163 : vector<16x1xi32> to vector<16xi32>
        %parallel_loop3A_165 = tpu.dynamic_gather %parallel_loop3A_162[%parallel_loop3A_164] in [0] : vector<16xf32>, vector<16xi32> -> vector<16xf32>
        %parallel_loop3A_166 = arith.addf %parallel_loop3A_162, %parallel_loop3A_165 : vector<16xf32>
        %parallel_loop3A_167 = vector.shape_cast %xor3A_8 : vector<16xi32> to vector<16x1xi32>
        %parallel_loop3A_168 = vector.shape_cast %parallel_loop3A_167 : vector<16x1xi32> to vector<16xi32>
        %parallel_loop3A_169 = tpu.dynamic_gather %parallel_loop3A_166[%parallel_loop3A_168] in [0] : vector<16xf32>, vector<16xi32> -> vector<16xf32>
        %parallel_loop3A_170 = arith.addf %parallel_loop3A_166, %parallel_loop3A_169 : vector<16xf32>
        %parallel_loop3A_171 = vector.shape_cast %xor3A_11 : vector<16xi32> to vector<16x1xi32>
        %parallel_loop3A_172 = vector.shape_cast %parallel_loop3A_171 : vector<16x1xi32> to vector<16xi32>
        %parallel_loop3A_173 = tpu.dynamic_gather %parallel_loop3A_170[%parallel_loop3A_172] in [0] : vector<16xf32>, vector<16xi32> -> vector<16xf32>
        %parallel_loop3A_174 = arith.addf %parallel_loop3A_170, %parallel_loop3A_173 : vector<16xf32>
        %parallel_loop3A_175 = arith.constant 1.000000e+00 : f32
        %parallel_loop3A_176 = vector.broadcast %parallel_loop3A_175 : f32 to vector<16xf32>
        %parallel_loop3A_177 = arith.divf %parallel_loop3A_176, %parallel_loop3A_174 : vector<16xf32>
        %parallel_loop3A_178 = arith.mulf %parallel_loop3A_128, %parallel_loop3A_157 : vector<16xf32>
        %parallel_loop3A_179 = arith.index_cast %parallel_loop3A_119 : i32 to index
        %parallel_loop3A_180 = tpu.vector_load %arg7[%parallel_loop3A_179] {strides = array<i32>} : memref<16384xf32, #tpu.memory_space<vmem>>, vector<16xf32>,
        %parallel_loop3A_181 = vector.shape_cast %parallel_loop3A_180 : vector<16xf32> to vector<16xf32>
        %parallel_loop3A_182 = vector.shape_cast %parallel_loop3A_178 : vector<16xf32> to vector<16xf32>
        tpu.vector_store %arg7[%parallel_loop3A_179], %parallel_loop3A_182 {strides = array<i32>} : memref<16384xf32, #tpu.memory_space<vmem>>, vector<16xf32>,
        %parallel_loop3A_183 = arith.mulf %parallel_loop3A_129, %parallel_loop3A_157 : vector<16xf32>
        %parallel_loop3A_184 = arith.constant 16 : i32
        %parallel_loop3A_185 = arith.addi %parallel_loop3A_119, %parallel_loop3A_184 : i32
        %parallel_loop3A_186 = arith.index_cast %parallel_loop3A_185 : i32 to index
        %parallel_loop3A_187 = tpu.vector_load %arg7[%parallel_loop3A_186] {strides = array<i32>} : memref<16384xf32, #tpu.memory_space<vmem>>, vector<16xf32>,
        %parallel_loop3A_188 = vector.shape_cast %parallel_loop3A_187 : vector<16xf32> to vector<16xf32>
        %parallel_loop3A_189 = vector.shape_cast %parallel_loop3A_183 : vector<16xf32> to vector<16xf32>
        tpu.vector_store %arg7[%parallel_loop3A_186], %parallel_loop3A_189 {strides = array<i32>} : memref<16384xf32, #tpu.memory_space<vmem>>, vector<16xf32>,
        %parallel_loop3A_190 = arith.mulf %parallel_loop3A_133, %parallel_loop3A_177 : vector<16xf32>
        %parallel_loop3A_191 = arith.index_cast %parallel_loop3A_119 : i32 to index
        %parallel_loop3A_192 = tpu.vector_load %arg9[%parallel_loop3A_191] {strides = array<i32>} : memref<16384xf32, #tpu.memory_space<vmem>>, vector<16xf32>,
        %parallel_loop3A_193 = vector.shape_cast %parallel_loop3A_192 : vector<16xf32> to vector<16xf32>
        %parallel_loop3A_194 = vector.shape_cast %parallel_loop3A_190 : vector<16xf32> to vector<16xf32>
        tpu.vector_store %arg9[%parallel_loop3A_191], %parallel_loop3A_194 {strides = array<i32>} : memref<16384xf32, #tpu.memory_space<vmem>>, vector<16xf32>,
        %parallel_loop3A_195 = arith.mulf %parallel_loop3A_137, %parallel_loop3A_177 : vector<16xf32>
        %parallel_loop3A_196 = arith.constant 16 : i32
        %parallel_loop3A_197 = arith.addi %parallel_loop3A_119, %parallel_loop3A_196 : i32
        %parallel_loop3A_198 = arith.index_cast %parallel_loop3A_197 : i32 to index
        %parallel_loop3A_199 = tpu.vector_load %arg9[%parallel_loop3A_198] {strides = array<i32>} : memref<16384xf32, #tpu.memory_space<vmem>>, vector<16xf32>,
        %parallel_loop3A_200 = vector.shape_cast %parallel_loop3A_199 : vector<16xf32> to vector<16xf32>
        %parallel_loop3A_201 = vector.shape_cast %parallel_loop3A_195 : vector<16xf32> to vector<16xf32>
        tpu.vector_store %arg9[%parallel_loop3A_198], %parallel_loop3A_201 {strides = array<i32>} : memref<16384xf32, #tpu.memory_space<vmem>>, vector<16xf32>,
      } {sc.loop_unroll_factor = 3 : i64, sc.parallel_access}
      %dma_start3A_102 = arith.constant 0 : i32
      %dma_start3A_103 = tpu.memref_slice %arg3[%add3A, %dma_start3A_102, %mul3A_89] : memref<32x2x524288xf32, #tpu.memory_space<hbm>> -> memref<1x1x16384xf32, #tpu.memory_space<hbm>>
      %dma_start3A_104 = tpu.memref_squeeze %dma_start3A_103 : memref<1x1x16384xf32, #tpu.memory_space<hbm>> -> memref<16384xf32, #tpu.memory_space<hbm>>
      %dma_start3A_105 = tpu.memref_slice %arg3[%add3A, %dma_start3A_102, %mul3A_89] : memref<32x2x524288xf32, #tpu.memory_space<hbm>> -> memref<1x1x16384xf32, #tpu.memory_space<hbm>>
      %dma_start3A_106 = tpu.memref_squeeze %dma_start3A_105 : memref<1x1x16384xf32, #tpu.memory_space<hbm>> -> memref<16384xf32, #tpu.memory_space<hbm>>
      tpu.enqueue_dma source(%arg7 : memref<16384xf32, #tpu.memory_space<vmem>>) target(%dma_start3A_106 : memref<16384xf32, #tpu.memory_space<hbm>>) target_semaphore(%arg13 : memref<!tpu.dma_semaphore, #tpu.memory_space<semaphore_mem>>)
      %dma_start3A_107 = arith.constant 1 : i32
      %dma_start3A_108 = tpu.memref_slice %arg3[%add3A, %dma_start3A_107, %mul3A_89] : memref<32x2x524288xf32, #tpu.memory_space<hbm>> -> memref<1x1x16384xf32, #tpu.memory_space<hbm>>
      %dma_start3A_109 = tpu.memref_squeeze %dma_start3A_108 : memref<1x1x16384xf32, #tpu.memory_space<hbm>> -> memref<16384xf32, #tpu.memory_space<hbm>>
      %dma_start3A_110 = tpu.memref_slice %arg3[%add3A, %dma_start3A_107, %mul3A_89] : memref<32x2x524288xf32, #tpu.memory_space<hbm>> -> memref<1x1x16384xf32, #tpu.memory_space<hbm>>
      %dma_start3A_111 = tpu.memref_squeeze %dma_start3A_110 : memref<1x1x16384xf32, #tpu.memory_space<hbm>> -> memref<16384xf32, #tpu.memory_space<hbm>>
      tpu.enqueue_dma source(%arg9 : memref<16384xf32, #tpu.memory_space<vmem>>) target(%dma_start3A_111 : memref<16384xf32, #tpu.memory_space<hbm>>) target_semaphore(%arg13 : memref<!tpu.dma_semaphore, #tpu.memory_space<semaphore_mem>>)
      %add3A_112 = arith.constant 2 : i32
      %add3A_113 = arith.addi %add3A_87, %add3A_112 : i32
      %lt3A_114 = arith.constant 32 : i32
      %lt3A_115 = arith.cmpi slt, %add3A_113, %lt3A_114 : i32
      %convert_element_type3A_116 = arith.extui %lt3A_115 : i1 to i32
      %cond3A_117 = arith.constant 0 : i32
      %cond3A_118 = arith.cmpi ne, %convert_element_type3A_116, %cond3A_117 : i32
      scf.if %cond3A_118 {
        %add3A_119 = arith.constant 32768 : i32
        %add3A_120 = arith.addi %mul3A_89, %add3A_119 : i32
        %dma_start3A_121 = tpu.memref_slice %arg2[%add3A, %add3A_120] : memref<32x524288xf32, #tpu.memory_space<hbm>> -> memref<1x16384xf32, #tpu.memory_space<hbm>>
        %dma_start3A_122 = tpu.memref_squeeze %dma_start3A_121 : memref<1x16384xf32, #tpu.memory_space<hbm>> -> memref<16384xf32, #tpu.memory_space<hbm>>
        %dma_start3A_123 = tpu.memref_slice %arg2[%add3A, %add3A_120] : memref<32x524288xf32, #tpu.memory_space<hbm>> -> memref<1x16384xf32, #tpu.memory_space<hbm>>
        %dma_start3A_124 = tpu.memref_squeeze %dma_start3A_123 : memref<1x16384xf32, #tpu.memory_space<hbm>> -> memref<16384xf32, #tpu.memory_space<hbm>>
        tpu.enqueue_dma source(%dma_start3A_124 : memref<16384xf32, #tpu.memory_space<hbm>>) target(%arg5 : memref<16384xf32, #tpu.memory_space<vmem>>) target_semaphore(%arg11 : memref<!tpu.dma_semaphore, #tpu.memory_space<semaphore_mem>>)
      } else {
      }
    }
    %scan3A_27 = arith.constant 16 : i32
    %dma_wait3A = arith.constant 0 : i32
    %dma_wait3A_28 = arith.constant 0 : i32
    %dma_wait3A_29 = tpu.memref_slice %arg3[%add3A, %dma_wait3A, %dma_wait3A_28] : memref<32x2x524288xf32, #tpu.memory_space<hbm>> -> memref<1x1x16384xf32, #tpu.memory_space<hbm>>
    %dma_wait3A_30 = tpu.memref_squeeze %dma_wait3A_29 : memref<1x1x16384xf32, #tpu.memory_space<hbm>> -> memref<16384xf32, #tpu.memory_space<hbm>>
    %dma_wait3A_31 = arith.constant 0 : i32
    %dma_wait3A_32 = tpu.memref_slice %arg3[%add3A, %dma_wait3A, %dma_wait3A_31] : memref<32x2x524288xf32, #tpu.memory_space<hbm>> -> memref<1x1x16384xf32, #tpu.memory_space<hbm>>
    %dma_wait3A_33 = tpu.memref_squeeze %dma_wait3A_32 : memref<1x1x16384xf32, #tpu.memory_space<hbm>> -> memref<16384xf32, #tpu.memory_space<hbm>>
    tpu.wait_dma2 semaphore(%arg12 : memref<!tpu.dma_semaphore, #tpu.memory_space<semaphore_mem>>) src(%arg6 : memref<16384xf32, #tpu.memory_space<vmem>>) dst(%dma_wait3A_33 : memref<16384xf32, #tpu.memory_space<hbm>>)
    %dma_wait3A_34 = arith.constant 1 : i32
    %dma_wait3A_35 = arith.constant 0 : i32
    %dma_wait3A_36 = tpu.memref_slice %arg3[%add3A, %dma_wait3A_34, %dma_wait3A_35] : memref<32x2x524288xf32, #tpu.memory_space<hbm>> -> memref<1x1x16384xf32, #tpu.memory_space<hbm>>
    %dma_wait3A_37 = tpu.memref_squeeze %dma_wait3A_36 : memref<1x1x16384xf32, #tpu.memory_space<hbm>> -> memref<16384xf32, #tpu.memory_space<hbm>>
    %dma_wait3A_38 = arith.constant 0 : i32
    %dma_wait3A_39 = tpu.memref_slice %arg3[%add3A, %dma_wait3A_34, %dma_wait3A_38] : memref<32x2x524288xf32, #tpu.memory_space<hbm>> -> memref<1x1x16384xf32, #tpu.memory_space<hbm>>
    %dma_wait3A_40 = tpu.memref_squeeze %dma_wait3A_39 : memref<1x1x16384xf32, #tpu.memory_space<hbm>> -> memref<16384xf32, #tpu.memory_space<hbm>>
    tpu.wait_dma2 semaphore(%arg12 : memref<!tpu.dma_semaphore, #tpu.memory_space<semaphore_mem>>) src(%arg8 : memref<16384xf32, #tpu.memory_space<vmem>>) dst(%dma_wait3A_40 : memref<16384xf32, #tpu.memory_space<hbm>>)
    %dma_wait3A_41 = arith.constant 0 : i32
    %dma_wait3A_42 = arith.constant 0 : i32
    %dma_wait3A_43 = tpu.memref_slice %arg3[%add3A, %dma_wait3A_41, %dma_wait3A_42] : memref<32x2x524288xf32, #tpu.memory_space<hbm>> -> memref<1x1x16384xf32, #tpu.memory_space<hbm>>
    %dma_wait3A_44 = tpu.memref_squeeze %dma_wait3A_43 : memref<1x1x16384xf32, #tpu.memory_space<hbm>> -> memref<16384xf32, #tpu.memory_space<hbm>>
    %dma_wait3A_45 = arith.constant 0 : i32
    %dma_wait3A_46 = tpu.memref_slice %arg3[%add3A, %dma_wait3A_41, %dma_wait3A_45] : memref<32x2x524288xf32, #tpu.memory_space<hbm>> -> memref<1x1x16384xf32, #tpu.memory_space<hbm>>
    %dma_wait3A_47 = tpu.memref_squeeze %dma_wait3A_46 : memref<1x1x16384xf32, #tpu.memory_space<hbm>> -> memref<16384xf32, #tpu.memory_space<hbm>>
    tpu.wait_dma2 semaphore(%arg13 : memref<!tpu.dma_semaphore, #tpu.memory_space<semaphore_mem>>) src(%arg7 : memref<16384xf32, #tpu.memory_space<vmem>>) dst(%dma_wait3A_47 : memref<16384xf32, #tpu.memory_space<hbm>>)
    %dma_wait3A_48 = arith.constant 1 : i32
    %dma_wait3A_49 = arith.constant 0 : i32
    %dma_wait3A_50 = tpu.memref_slice %arg3[%add3A, %dma_wait3A_48, %dma_wait3A_49] : memref<32x2x524288xf32, #tpu.memory_space<hbm>> -> memref<1x1x16384xf32, #tpu.memory_space<hbm>>
    %dma_wait3A_51 = tpu.memref_squeeze %dma_wait3A_50 : memref<1x1x16384xf32, #tpu.memory_space<hbm>> -> memref<16384xf32, #tpu.memory_space<hbm>>
    %dma_wait3A_52 = arith.constant 0 : i32
    %dma_wait3A_53 = tpu.memref_slice %arg3[%add3A, %dma_wait3A_48, %dma_wait3A_52] : memref<32x2x524288xf32, #tpu.memory_space<hbm>> -> memref<1x1x16384xf32, #tpu.memory_space<hbm>>
    %dma_wait3A_54 = tpu.memref_squeeze %dma_wait3A_53 : memref<1x1x16384xf32, #tpu.memory_space<hbm>> -> memref<16384xf32, #tpu.memory_space<hbm>>
    tpu.wait_dma2 semaphore(%arg13 : memref<!tpu.dma_semaphore, #tpu.memory_space<semaphore_mem>>) src(%arg9 : memref<16384xf32, #tpu.memory_space<vmem>>) dst(%dma_wait3A_54 : memref<16384xf32, #tpu.memory_space<hbm>>)
    return
  }
}

</mosaic_0001>

<sc_bundles>
// kernel: kernel.3.cloned.1.call-start
scs
__scs_entry_jumppad:
0x0: {  	(pc) =	sbr.rel $0x88, $3  }
0x1: {  	(tag) =	ssettag $0x0;
	lr =	simm.s32 $0x1  }
0x2: {  	[smem:$0x3FA0] =	sst lr;
	_ =	strace $0xD0000000  }
0x3: {  	_ = 	snop  }
0x4: {  	_ = 	snop  }
0x5: {  	_ = 	snop  }
0x6: {  	_ = 	snop  }
0x7: {  	_ = 	snop  }
__scs_overlays_trampoline_lowered:
0x8: {  	[smem:$0x3FAF] =	sst s0  }
0x9: {  	[smem:$0x3FB0] =	sst s1  }
0xa: {  	[smem:$0x3FB1] =	sst s2  }
0xb: {  	[smem:$0x3FB2] =	sst s3  }
0xc: {  	[smem:$0x3FB3] =	sst s4  }
0xd: {  	[smem:$0x3FB4] =	sst s5  }
0xe: {  	[smem:$0x3FB5] =	sst s6  }
0xf: {  	[smem:$0x3FB6] =	sst s7  }
0x10: {  	[smem:$0x3FB7] =	sst s8  }
0x11: {  	[smem:$0x3FB8] =	sst s9;
	s0 =	simm.s32 @!p0 $0x0  }
0x12: {  	s1 =	sld [smem:$0x3F9E];
	s0 =	simm.s32 @p0 $0x1  }
0x13: {  	[smem:$0x3FB9] =	sst s0;
	s0 =	simm.s32 @!p1 $0x0  }
0x14: {  	s2 =	sld [smem:$0x3F9D];
	s0 =	simm.s32 @p1 $0x1  }
0x15: {  	[smem:$0x3FBA] =	sst s0;
	s0 =	simm.s32 @!p2 $0x0  }
0x16: {  	s3 =	sld [smem:$0x3FDB];
	s0 =	simm.s32 @p2 $0x1  }
0x17: {  	s4 =	simm.s32 $0x1BF5;
	[smem:$0x3FBC] =	sst s0  }
0x18: {  	s0 =	sld [smem:$0x3F9F];
	_ =	swait.ge [sflag:s4], $0x0  }
0x19: {  	s7 =	sld [smem:$0x3FA0]  }
0x1a: {  	s8 =	sadd.s32 $0xFFFFE003, lr  }
0x1b: {  	s9 =	sadd.s32 $0xFFFFFEF7, lr;
	s5 =	simm.s32 $0xFFFFFFFF;
	p2 =	slt.u32 s8, $0xFFFFF086  }
0x1c: {  	p1 =	slt.u32 s9, $0xF7A;
	s5 =	simm.s32 @!p2 $0x0  }
0x1d: {  	s5 =	simm.s32 @p1 $0x1;
	p0 =	seq.s32 s7, s2  }
0x1e: {  	s7 =	smul.u32 @!p0 $0xF7A, s2;
	p2 =	seq.s32 @!p0 s5, $0x0  }
0x1f: {  	s9 =	smul.u32 $0xF7A, s1;
	s8 =	simm.s32 @!p0 $0x1BF5;
	p2 =	por !p2, p0  }
0x20: {  	[sflag:s8] =	ssyncset.s32 @!p0 $0xFFFFF086;
	s6 =	sadd.s32 @!p0 s3, s7;
	s7 =	simm.s32 @!p0 $0x108  }
0x21: {  	s3 =	sadd.s32 s3, s9;
	s6 =	sadd.s32 @!p0 $0x88, s6;
	s7 =	simm.s32 @p2 $0x1082  }
0x22: {  	[simem:s7], [sflag:s8] =	dma.local @!p0 [hbm:s6], $0xF7A  }
0x23: {  	s9 =	sor.u32 $0xD0000000, s2;
	s6 =	simm.s32 $0x108;
	_ =	swait.ge @!p0 [sflag:s8], $0x0  }
0x24: {  	s3 =	sadd.s32 $0x88, s3;
	s6 =	simm.s32 @!p1 $0x1082;
	[sflag:s4] =	ssyncset.s32 $0xFFFFF086  }
0x25: {  	[simem:s6], [sflag:s4] =	dma.local [hbm:s3], $0xF7A  }
0x26: {  	[smem:$0x3FA0] =	sst s1;
	(tag) =	ssettag s2;
	_ =	strace s9  }
0x27: {  	s1 =	sld [smem:$0x3FB0]  }
0x28: {  	s2 =	sld [smem:$0x3FB1]  }
0x29: {  	s4 =	sld [smem:$0x3FB3]  }
0x2a: {  	p0 =	seq.s32 s5, $0x0;
	s5 =	sld [smem:$0x3FB4]  }
0x2b: {  	s6 =	sld [smem:$0x3FB5]  }
0x2c: {  	s7 =	sld [smem:$0x3FB6]  }
0x2d: {  	s3 =	simm.s32 $0x108;
	s8 =	sld [smem:$0x3FB7]  }
0x2e: {  	s3 =	simm.s32 @!p0 $0x1082;
	s9 =	sld [smem:$0x3FB8]  }
0x2f: {  	lr =	sadd.s32 s0, s3;
	s0 =	sld [smem:$0x3FAF]  }
0x30: {  	s3 =	sld [smem:$0x3FB2]  }
0x31: {  	[smem:$0x3FBB] =	sst s10  }
0x32: {  	s10 =	sld [smem:$0x3FB9];
	_ =	sdelay $0x3  }
0x33: {  	p0 =	seq.s32 s10, $0x1;
	s10 =	sld [smem:$0x3FBB];
	_ =	sdelay $0x3  }
0x34: {  	[smem:$0x3FBB] =	sst s10  }
0x35: {  	s10 =	sld [smem:$0x3FBA];
	_ =	sdelay $0x3  }
0x36: {  	p1 =	seq.s32 s10, $0x1;
	s10 =	sld [smem:$0x3FBB];
	_ =	sdelay $0x3  }
0x37: {  	[smem:$0x3FBB] =	sst s10  }
0x38: {  	s10 =	sld [smem:$0x3FBC]  }
0x39: {  	_ = 	snop;
	(pc) =	sbr.ind lr, $3  }
0x3a: {  	_ = 	snop  }
0x3b: {  	_ = 	snop  }
0x3c: {  	p2 =	seq.s32 s10, $0x1;
	s10 =	sld [smem:$0x3FBB]  }
0x3d: {  	_ =	shalt  }
0x3e: {  	_ =	shalt  }
0x3f: {  	_ =	shalt  }
0x40: {  	_ =	shalt  }
0x41: {  	_ =	shalt  }
0x42: {  	_ =	shalt  }
0x43: {  	_ =	shalt  }
0x44: {  	_ =	shalt  }
0x45: {  	_ =	shalt  }
0x46: {  	_ =	shalt  }
0x47: {  	_ =	shalt  }
0x48: {  	_ =	shalt  }
0x49: {  	_ =	shalt  }
0x4a: {  	_ =	shalt  }
0x4b: {  	_ =	shalt  }
0x4c: {  	_ =	shalt  }
0x4d: {  	_ =	shalt  }
0x4e: {  	_ =	shalt  }
0x4f: {  	_ =	shalt  }
0x50: {  	_ =	shalt  }
0x51: {  	_ =	shalt  }
0x52: {  	_ =	shalt  }
0x53: {  	_ =	shalt  }
0x54: {  	_ =	shalt  }
0x55: {  	_ =	shalt  }
0x56: {  	_ =	shalt  }
0x57: {  	_ =	shalt  }
0x58: {  	_ =	shalt  }
0x59: {  	_ =	shalt  }
0x5a: {  	_ =	shalt  }
0x5b: {  	_ =	shalt  }
0x5c: {  	_ =	shalt  }
0x5d: {  	_ =	shalt  }
0x5e: {  	_ =	shalt  }
0x5f: {  	_ =	shalt  }
0x60: {  	_ =	shalt  }
0x61: {  	_ =	shalt  }
0x62: {  	_ =	shalt  }
0x63: {  	_ =	shalt  }
0x64: {  	_ =	shalt  }
0x65: {  	_ =	shalt  }
0x66: {  	_ =	shalt  }
0x67: {  	_ =	shalt  }
0x68: {  	_ =	shalt  }
0x69: {  	_ =	shalt  }
0x6a: {  	_ =	shalt  }
0x6b: {  	_ =	shalt  }
0x6c: {  	_ =	shalt  }
0x6d: {  	_ =	shalt  }
0x6e: {  	_ =	shalt  }
0x6f: {  	_ =	shalt  }
0x70: {  	_ =	shalt  }
0x71: {  	_ =	shalt  }
0x72: {  	_ =	shalt  }
0x73: {  	_ =	shalt  }
0x74: {  	_ =	shalt  }
0x75: {  	_ =	shalt  }
0x76: {  	_ =	shalt  }
0x77: {  	_ =	shalt  }
0x78: {  	_ =	shalt  }
0x79: {  	_ =	shalt  }
0x7a: {  	_ =	shalt  }
0x7b: {  	_ =	shalt  }
0x7c: {  	_ =	shalt  }
0x7d: {  	_ =	shalt  }
0x7e: {  	_ =	shalt  }
0x7f: {  	_ =	shalt  }
0x80: {  	_ =	shalt  }
0x81: {  	_ =	shalt  }
0x82: {  	_ =	shalt  }
0x83: {  	_ =	shalt  }
0x84: {  	_ =	shalt  }
0x85: {  	_ =	shalt  }
0x86: {  	_ =	shalt  }
0x87: {  	_ =	shalt  }
.Lfunc_end0:
.L_simem_size_0:
called_computation.1_lowered:
.L_overlay_start_0:
0x88: {  	s2 =	sld [smem:$0x3FD9]  }
0x89: {  	s3 =	sld [smem:$0x3FFE];
	_ =	sdelay $0x1  }
0x8a: {  	s1 =	srdreg.scid  }
0x8b: {  	s0 =	sand.u32 $0x1, s1  }
0x8c: {  	s17 =	sshll.u32 s0, $0xA;
	s2 =	sadd.s32 s3, s2  }
0x8d: {  	s2 =	sadd.s32 s2, s17  }
0x8e: {  	[smem:$0x3FC7] =	sst s2  }
0x8f: {  	_ = 	snop  }
0x90: {  	s2 =	sld [smem:$0x3FD0];
	(tm) =	ssettm $0x1  }
0x91: {  	s18 =	sld [smem:$0x3FFB];
	_ =	sdelay $0x3  }
0x92: {  	_ =	strace s18  }
0x93: {  	s3 =	sld [smem:$0x3FFC];
	_ =	sdelay $0x3  }
0x94: {  	_ =	strace s3  }
0x95: {  	s3 =	sld [smem:$0x3FFD];
	_ =	sdelay $0x3  }
0x96: {  	_ =	strace s3  }
0x97: {  	_ =	strace $0x8FFFFFFF  }
0x98: {  	s19 =	sld [smem:$0x3FDB];
	_ =	sdelay $0x1  }
0x99: {  	s4 =	simm.s32 $_scs_section_size  }
0x9a: {  	s5 =	simm.s32 $_size__tile_overlayer_lowered;
	s6 =	simm.s32 $_tile_overlayer_lowered  }
0x9b: {  	s22 =	simm.s32 $0x1BFF;
	s21 =	sshll.u32 s6, $0x1;
	s3 =	sadd.s32 s4, s19  }
0x9c: {  	s7 =	simm.s32 $0x0;
	s20 =	sshll.u32 s5, $0x1;
	s5 =	sadd.s32 s21, s3  }
0x9d: {  	[timem:s7], [sflag:s22] =	dma.local [hbm:s5], s20  }
0x9e: {  	_ =	swait.ge [sflag:s22], s20  }
0x9f: {  	s4 =	ssub.s32 $0x0, s20;
	[sflag:s22] =	ssyncset.done $0x0  }
0xa0: {  	[sflag:s22] =	ssyncadd.s32 s4;
	_ =	sdelay $0x1  }
0xa1: {  	s23 =	simm.s32 $0x1B8B  }
0xa2: {  	_ =	swait.ge [sflag:s23], $0x1  }
0xa3: {  	[sflag:s23] =	ssyncset.done $0x0  }
0xa4: {  	s25 =	simm.s32 $0x1B8E;
	s24 =	sld [smem:$0x3FFE];
	[sflag:s23] =	ssyncadd.s32 $0xFFFFFFFF  }
0xa5: {  	s26 =	simm.s32 $execute0_lowered;
	[smem:$0x3FD2] =	sst s25  }
0xa6: {  	s5 =	sshll.u32 s26, $0x1;
	_ =	strace $0x80000049;
	[dreg:$0x1] =	wrdreg $0xFFFFFFFF  }
0xa7: {  	s28 =	simm.s32 $_size_execute0_lowered;
	s3 =	sadd.s32 s3, s5;
	[dreg:$0x0] =	wrdreg $0x0  }
0xa8: {  	s5 =	sshll.u32 s28, $0x1;
	[dreg:$0x2] =	wrdreg s3  }
0xa9: {  	[dreg:$0x3] =	wrdreg s5  }
0xaa: {  	[dreg:$0x4] =	wrdreg $0xC0  }
0xab: {  	_ =	task [dreg:s7], $0x5FFFF  }
0xac: {  	[dreg:$0x1] =	wrdreg $0xFFFFFFFF  }
0xad: {  	[dreg:$0x0] =	wrdreg $0x60  }
0xae: {  	[dreg:$0x2] =	wrdreg s2  }
0xaf: {  	[dreg:$0x3] =	wrdreg s24  }
0xb0: {  	[dreg:$0x4] =	wrdreg $0x9  }
0xb1: {  	_ =	task.clear_ibuf [dreg:s7], $0x5FFFF;
	_ =	strace $0x90000049  }
0xb2: {  	s29 =	simm.s32 $0x9;
	_ =	strace $0x8000004B  }
0xb3: {  	_ =	swait.ge [sflag:s29], $0x1  }
0xb4: {  	[sflag:s29] =	ssyncadd.s32 $0xFFFFFFFF  }
0xb5: {  	_ =	strace $0x9000004B  }
0xb6: {  	_ =	sfence  }
0xb7: {  	s30 =	sld [smem:$0x0];
	_ =	sdelay $0x2  }
0xb8: {  	s31 =	sshll.u32 s1, $0xD;
	s1 =	sshrl.u32 s1, $0x2  }
0xb9: {  	s3 =	sand.u32 $0x4000, s31;
	s1 =	sadd.s32 s1, s30  }
0xba: {  	s0 =	sor.u32 s3, s0;
	s1 =	sshll.u32 s1, $0x11  }
0xbb: {  	s0 =	sor.u32 s1, s0  }
0xbc: {  	s0 =	sadd.s32 $0x8F2B, s0  }
0xbd: {  	[sflag:s0] =	ssyncadd.remote.s32 $0x1  }
0xbe: {  	_ =	sfence.sel $0xFFFF  }
0xbf: {  	[dreg:$0x0] =	wrdreg $0xFFFFFFFF;
	(pc) =	sbr.abs _section_cstart, $3  }
0xc0: {  	[dreg:$0x1] =	wrdreg $0xFFFFFFFF  }
0xc1: {  	_ =	task.clear_ibuf [dreg:s7], $0x2FFFF;
	_ =	strace $0x9FFFFFFF  }
0xc2: {  	(tm) =	ssettm $0x7FFFFFFF  }
0xc3: {  	_ =	shalt  }
tec
execute0_lowered:
.L_overlay_start_1:
0x0: {  	(tag) =	ssettag $0x1  }
0x1: {  	s0 =	srdreg.scid;
	s1 =	rddreg [dreg:$0x0]  }
0x2: {  	s3 =	stileid.u32;
	s5 =	rddreg [dreg:$0x1]  }
0x3: {  	v0 =	vimm.s32 $0xEFCDAB89;
	s13 =	simm.s32 $0x80;
	s14 =	simm.s32 $0x400;
	s15 =	simm.s32 $0x4000  }
0x4: {  	v1 =	vimm.s32 $0x67452301;
	v2 =	vimm.s32 $0xDCFE98BA;
	s16 =	simm.s32 $0x1;
	s17 =	simm.s32 $0x100;
	s18 =	simm.s32 $0x8000  }
0x5: {  	v3 =	vimm.s32 $0x54761032;
	v4 =	vimm.s32 $0xBA98FEDC;
	s19 =	simm.s32 $0x10000;
	s20 =	simm.s32 $0x2;
	s21 =	simm.s32 $0x4  }
0x6: {  	v5 =	vimm.s32 $0x32107654;
	v6 =	vimm.s32 $0xFEDCBA98;
	s22 =	simm.s32 $0xC000;
	s0 =	sand.u32 $0x1, s0;
	s2 =	sshll.u32 s3, $0x1  }
0x7: {  	v7 =	vimm.s32 $0x76543210;
	s23 =	simm.s32 $0x14000;
	s25 =	simm.s32 $0x0;
	v0 =	vunpack.c.l.s4.s8 v0;
	v1 =	vunpack.c.l.s4.s8 v1;
	s2 =	sor.u32 s0, s2  }
0x8: {  	s4 =	sshll.u32 s3, $0x14;
	s3 =	simm.s32 $0x0;
	v2 =	vunpack.c.l.s4.s8 v2;
	v3 =	vunpack.c.l.s4.s8 v3;
	v4 =	vunpack.c.l.s4.s8 v4;
	s6 =	sshll.u32 s2, $0x7  }
0x9: {  	v5 =	vunpack.c.l.s4.s8 v5;
	v6 =	vunpack.c.l.s4.s8 v6;
	v7 =	vunpack.c.l.s4.s8 v7;
	[smem:$0x7FF] =	sst s3;
	s0 =	ssub.s32 $0x2, s0;
	s4 =	sor.u32 s4, s6  }
0xa: {  	v0 =	vunpack.c.0.s8.s32 v0;
	_ =	strace $0x8000004A;
	v1 =	vunpack.c.0.s8.s32 v1;
	v2 =	vunpack.c.0.s8.s32 v2;
	s8 =	sshrl.u32 s0, $0x1;
	s6 =	sand.u32 $0xC00380, s4  }
.Ltmp0:
0xb: {  	v3 =	vunpack.c.0.s8.s32 v3;
	v4 =	vunpack.c.0.s8.s32 v4;
	v5 =	vunpack.c.0.s8.s32 v5;
	s0 =	ssub.s32 s0, s8;
	s7 =	sshrl.u32 s6, $0x3;
	(pc) =	sbr.rel .LBB2_1-.Ltmp0, $4  }
0xc: {  	s8 =	sadd.s32 $0x810, s5;
	s4 =	sadd.s32 $0x800, s5;
	v0 =	vcombine.low v1, v0;
	v1 =	vunpack.c.0.s8.s32 v6;
	s7 =	sadd.s32 s1, s7  }
0xd: {  	s0 =	smax.u32 s0, $0x1;
	v2 =	vcombine.low v3, v2;
	v3 =	vcombine.low v5, v4;
	v4 =	vunpack.c.0.s8.s32 v7;
	[dreg:$0x3] =	wrdreg s7;
	s7 =	sadd.s32 $0x4000, s7  }
0xe: {  	s9 =	sor.u32 $0x40000, s6;
	v0 =	vand.u32 $0xF, v0;
	v5 =	vand.u32 $0xF, v1;
	[dreg:$0x4] =	wrdreg s7;
	s7 =	sshll.u32 s2, $0x14  }
0xf: {  	s11 =	sor.u32 $0x60000, s6;
	[dreg:$0x5] =	wrdreg s0;
	v1 =	vand.u32 $0xF, v2;
	v2 =	vand.u32 $0xF, v3;
	v3 =	vcombine.low v5, v4;
	s10 =	sor.u32 $0x8000, s7  }
.LBB2_16:
0x10: {  	s0 =	simm.s32 $0x3  }
0x11: {  	_ =	swait.ge [sflag:s0], $0x4000  }
0x12: {  	[sflag:s0] =	ssyncset.done $0x0  }
0x13: {  	[sflag:s0] =	ssyncadd.s32 $0xFFFFC000  }
0x14: {  	_ =	swait.ge [sflag:s0], $0x4000  }
0x15: {  	[sflag:s0] =	ssyncset.done $0x0  }
0x16: {  	[sflag:s0] =	ssyncadd.s32 $0xFFFFC000  }
0x17: {  	_ =	swait.ge [sflag:s21], $0x4000  }
0x18: {  	[sflag:s21] =	ssyncset.done $0x0  }
0x19: {  	[sflag:s21] =	ssyncadd.s32 $0xFFFFC000  }
0x1a: {  	_ =	swait.ge [sflag:s21], $0x4000  }
0x1b: {  	s25 =	sadd.s32 $0x1, s25;
	s31 =	rddreg [dreg:$0x5]  }
0x1c: {  	p0 =	sne.s32 s25, s31  }
.Ltmp1:
0x1d: {  	_ = 	snop;
	(pc) =	sbr.rel @!p0 .LBB2_17-.Ltmp1, $3  }
0x1e: {  	_ =	sdelay $0x1  }
0x1f: {  	[sflag:s21] =	ssyncset.done $0x0  }
0x20: {  	[sflag:s21] =	ssyncadd.s32 $0xFFFFC000  }
.LBB2_1:
0x21: {  	s0 =	rddreg [dreg:$0x3]  }
0x22: {  	[tilespmem:s3], [sflag:$0x1] =	stream.strided.gather [hbm4b:s0+s13], $0x4000, s14, s13, $0x38;
	[tilespmem:$0x18000] =	vst v63  }
0x23: {  	s31 =	rddreg [dreg:$0x4];
	s26 =	simm.s32 $0x0  }
0x24: {  	[tilespmem:s15], [sflag:$0x2] =	stream.strided.gather [hbm4b:s31+s13], $0x4000, s14, s13, $0x38;
	[tilespmem:$0x18000] =	vst v63  }
.LBB2_2:
0x25: {  	_ =	swait.ge [sflag:s16], $0x4000  }
0x26: {  	p0 =	seq.s32 s26, $0x0;
	[sflag:s16] =	ssyncset.done $0x0  }
0x27: {  	s0 =	simm.s32 @!p0 $0x3;
	[sflag:s16] =	ssyncadd.s32 $0xFFFFC000  }
0x28: {  	_ =	swait.ge @!p0 [sflag:s0], $0x4000  }
0x29: {  	[sflag:s0] =	ssyncset.done @!p0 $0x0  }
0x2a: {  	[sflag:s0] =	ssyncadd.s32 @!p0 $0xFFFFC000  }
0x2b: {  	_ =	swait.ge @!p0 [sflag:s0], $0x4000  }
0x2c: {  	[sflag:s0] =	ssyncset.done @!p0 $0x0  }
0x2d: {  	s6 =	simm.s32 $0x30;
	[sflag:s0] =	ssyncadd.s32 @!p0 $0xFFFFC000  }
0x2e: {  	v4 =	vld [tilespmem:s6+$0x10]  }
0x2f: {  	v5 =	vld [tilespmem:s6+$0xFFFFFFE0]  }
0x30: {  	v6 =	vld [tilespmem:s6+$0xFFFFFFD0]  }
0x31: {  	v7 =	vld [tilespmem:s6+$0xFFFFFFF0]  }
0x32: {  	v8 =	vld [tilespmem:s6+$0x0]  }
0x33: {  	v9 =	vsub.f32 $0.0e+00, v4  }
0x34: {  	v10 =	vmul.f32 $1.442695020e+00, v5;
	v5 =	vsub.f32 $0.0e+00, v5  }
0x35: {  	v9 =	vmul.f32 $1.442695020e+00, v9  }
0x36: {  	v11 =	vsub.f32 $0.0e+00, v6;
	v5 =	vmul.f32 $1.442695020e+00, v5;
	(erf) = vpow2.f32 v10  }
0x37: {  	v12 =	vsub.f32 $0.0e+00, v8;
	v10 =	vmul.f32 $1.442695020e+00, v7;
	(erf) = vpow2.f32 v9;
	v9 =	vld [tilespmem:s6+$0x20]  }
0x38: {  	v11 =	vmul.f32 $1.442695020e+00, v11;
	(erf) = vpow2.f32 v5  }
0x39: {  	s12 =	simm.s32 $0x90;
	v5 =	vmul.f32 $1.442695020e+00, v12;
	(erf) = vpow2.f32 v10  }
0x3a: {  	v14 =	vld [tilespmem:s12+$0x10];
	v6 =	vmul.f32 $1.442695020e+00, v6;
	(erf) = vpow2.f32 v11  }
0x3b: {  	v4 =	vmul.f32 $1.442695020e+00, v4;
	v7 =	vsub.f32 $0.0e+00, v7;
	(erf) = vpow2.f32 v5  }
0x3c: {  	v5 =	vld [tilespmem:s12+$0xFFFFFFE0];
	v10 =	vmul.f32 $1.442695020e+00, v9;
	(erf) = vpow2.f32 v6  }
0x3d: {  	v17 =	vld [tilespmem:s12+$0x20];
	v6 =	vmul.f32 $1.442695020e+00, v7;
	(erf) = vpow2.f32 v4  }
0x3e: {  	v4 =	vld [tilespmem:s12+$0xFFFFFFD0];
	(erf) = vpow2.f32 v10  }
0x3f: {  	v11 =	vsub.f32 $0.0e+00, v14;
	v7 =	vsub.f32 $0.0e+00, v9;
	v9 =	vld [tilespmem:s12+$0xFFFFFFF0];
	v31 =	vpop (erf);
	(erf) = vpow2.f32 v6  }
0x40: {  	v8 =	vmul.f32 $1.442695020e+00, v8;
	v6 =	vld [tilespmem:s12+$0x0];
	v15 =	vpop (erf)  }
0x41: {  	v16 =	vmul.f32 $1.442695020e+00, v11;
	v12 =	vmul.f32 $1.442695020e+00, v5;
	v5 =	vsub.f32 $0.0e+00, v5;
	v10 =	vpop (erf)  }
0x42: {  	v23 =	vmul.f32 $1.442695020e+00, v17;
	v7 =	vmul.f32 $1.442695020e+00, v7;
	v13 =	vpop (erf)  }
0x43: {  	s24 =	simm.s32 $0xF0;
	v5 =	vmul.f32 $1.442695020e+00, v5;
	v19 =	vsub.f32 $0.0e+00, v4;
	(erf) = vpow2.f32 v12;
	v11 =	vpop (erf)  }
0x44: {  	v29 =	vld [tilespmem:s24+$0xFFFFFFE0];
	v20 =	vmul.f32 $1.442695020e+00, v9;
	(erf) = vpow2.f32 v16;
	v12 =	vadd.f32 v10, v11;
	v18 =	vpop (erf)  }
0x45: {  	v21 =	vsub.f32 $0.0e+00, v6;
	v19 =	vmul.f32 $1.442695020e+00, v19;
	(erf) = vpow2.f32 v5;
	v16 =	vpop (erf)  }
0x46: {  	(erf) = vpow2.f32 v20;
	v5 =	vperm.xlane v12, v0;
	v20 =	vadd.f32 v31, v16;
	v22 =	vpop (erf)  }
0x47: {  	v24 =	vsub.f32 $0.0e+00, v17;
	v21 =	vmul.f32 $1.442695020e+00, v21;
	(erf) = vpow2.f32 v19;
	v32 =	vpop (erf)  }
0x48: {  	v43 =	vld [tilespmem:s24+$0xFFFFFFF0];
	v19 =	vadd.f32 v5, v12;
	v17 =	vpop (erf);
	v5 =	vadd.f32 v32, v22;
	v12 =	vperm.xlane v20, v0  }
0x49: {  	v44 =	vmul.f32 $1.442695020e+00, v29;
	(erf) = vpow2.f32 v21;
	v21 =	vadd.f32 v18, v17  }
0x4a: {  	(erf) = vpow2.f32 v7;
	v7 =	vperm.xlane v5, v0;
	v20 =	vadd.f32 v20, v12  }
0x4b: {  	v4 =	vmul.f32 $1.442695020e+00, v4;
	(erf) = vpow2.f32 v8;
	v8 =	vsub.f32 $0.0e+00, v9  }
0x4c: {  	v9 =	vperm.xlane v21, v0;
	v26 =	vadd.f32 v5, v7;
	v7 =	vperm.xlane v20, v1  }
0x4d: {  	v56 =	vsub.f32 $0.0e+00, v43;
	v27 =	vmul.f32 $1.442695020e+00, v24;
	v25 =	vperm.xlane v19, v1;
	v12 =	vpop (erf)  }
0x4e: {  	(erf) = vpow2.f32 v4;
	v24 =	vmul.f32 $1.442695020e+00, v8;
	v5 =	vpop (erf);
	v8 =	vadd.f32 v9, v21  }
0x4f: {  	v14 =	vmul.f32 $1.442695020e+00, v14;
	v4 =	vpop (erf);
	v9 =	vadd.f32 v20, v7;
	v20 =	vperm.xlane v26, v1  }
0x50: {  	v19 =	vadd.f32 v25, v19;
	v21 =	vmul.f32 $1.442695020e+00, v6;
	v25 =	vperm.xlane v8, v1;
	v7 =	vpop (erf)  }
0x51: {  	v28 =	vperm.xlane v9, v2;
	v20 =	vadd.f32 v26, v20;
	v6 =	vpop (erf);
	(erf) = vpow2.f32 v14  }
0x52: {  	v35 =	vld [tilespmem:s24+$0x20];
	v14 =	vperm.xlane v19, v2;
	v25 =	vadd.f32 v25, v8;
	v26 =	vadd.f32 v4, v6  }
0x53: {  	v43 =	vmul.f32 $1.442695020e+00, v43;
	v8 =	vpop (erf);
	v33 =	vadd.f32 v9, v28;
	v9 =	vperm.xlane v20, v2  }
0x54: {  	v30 =	vpop (erf);
	v36 =	vadd.f32 v14, v19;
	v14 =	vperm.xlane v25, v2;
	v34 =	vperm.xlane v26, v0  }
0x55: {  	v40 =	vld [tilespmem:s24+$0x0];
	v28 =	vpop (erf);
	(erf) = vpow2.f32 v23;
	v23 =	vadd.f32 v20, v9;
	v42 =	vadd.f32 v30, v15  }
0x56: {  	v37 =	vld [tilespmem:s24+$0x10];
	v20 =	vperm.xlane v33, v3;
	v38 =	vadd.f32 v28, v13;
	v25 =	vadd.f32 v14, v25  }
0x57: {  	v19 =	vld [tilespmem:s24+$0xFFFFFFD0];
	v14 =	vsub.f32 $0.0e+00, v35;
	v34 =	vadd.f32 v34, v26;
	v9 =	vpop (erf);
	(erf) = vpow2.f32 v24  }
0x58: {  	v41 =	vadd.f32 v33, v20;
	v26 =	vperm.xlane v23, v3;
	v33 =	vmul.f32 $1.442695020e+00, v35  }
0x59: {  	v20 =	vsub.f32 $0.0e+00, v29;
	v49 =	vperm.xlane v42, v0;
	v35 =	vmul.f32 $1.442695020e+00, v56  }
0x5a: {  	v29 =	vsub.f32 $0.0e+00, v40;
	v45 =	vperm.xlane v38, v0;
	v24 =	vmul.f32 $1.442695020e+00, v14  }
0x5b: {  	v39 =	vadd.f32 v12, v9;
	(erf) = vpow2.f32 v44;
	v46 =	vperm.xlane v34, v1  }
0x5c: {  	v47 =	vmul.f32 $1.442695020e+00, v20;
	v20 =	vsub.f32 $0.0e+00, v37;
	v14 =	vsub.f32 $0.0e+00, v19  }
0x5d: {  	v23 =	vadd.f32 v23, v26;
	v50 =	vmul.f32 $1.442695020e+00, v29;
	v29 =	vmul.f32 $1.442695020e+00, v40  }
0x5e: {  	v42 =	vadd.f32 v49, v42;
	v56 =	vmul.f32 $1.442695020e+00, v19;
	v37 =	vmul.f32 $1.442695020e+00, v37  }
0x5f: {  	v38 =	vadd.f32 v38, v45;
	v59 =	vperm.xlane v39, v0;
	v48 =	vmul.f32 $1.442695020e+00, v20  }
0x60: {  	v57 =	vmul.f32 $1.442695020e+00, v14;
	v58 =	vperm.xlane v42, v1;
	v34 =	vadd.f32 v46, v34  }
0x61: {  	v39 =	vadd.f32 v39, v59;
	v62 =	vperm.xlane v38, v1;
	(erf) = vpow2.f32 v48  }
0x62: {  	v20 =	vpop (erf);
	v40 =	vadd.f32 v58, v42;
	v46 =	vperm.xlane v34, v2;
	(erf) = vpow2.f32 v47  }
0x63: {  	v26 =	vpop (erf);
	v53 =	vperm.xlane v39, v1;
	v38 =	vadd.f32 v38, v62;
	(erf) = vrcp.f32 v41  }
0x64: {  	v51 =	vadd.f32 v26, v20;
	v52 =	vperm.xlane v40, v2;
	(erf) = vpow2.f32 v43  }
0x65: {  	v14 =	vpop (erf);
	v47 =	vadd.f32 v39, v53;
	v54 =	vperm.xlane v38, v2;
	(erf) = vrcp.f32 v23  }
0x66: {  	v44 =	vadd.f32 v8, v14;
	v23 =	vperm.xlane v25, v3;
	(erf) = vpow2.f32 v57  }
0x67: {  	v60 =	vperm.xlane v51, v0;
	v40 =	vadd.f32 v52, v40;
	(erf) = vpow2.f32 v50  }
0x68: {  	v61 =	vperm.xlane v44, v0;
	v23 =	vadd.f32 v23, v25;
	(erf) = vpow2.f32 v27  }
0x69: {  	v63 =	vadd.f32 v51, v60;
	v55 =	vperm.xlane v40, v3;
	v27 =	vpop (erf);
	(erf) = vpow2.f32 v21  }
0x6a: {  	v38 =	vadd.f32 v38, v54;
	v57 =	vperm.xlane v47, v2;
	v25 =	vpop (erf);
	(erf) = vrcp.f32 v23  }
0x6b: {  	v58 =	vadd.f32 v55, v40;
	v59 =	vadd.f32 v61, v44;
	v23 =	vperm.xlane v63, v1;
	v19 =	vpop (erf)  }
0x6c: {  	v60 =	vperm.xlane v38, v3;
	(erf) = vpow2.f32 v56;
	v43 =	vpop (erf)  }
0x6d: {  	v45 =	vadd.f32 v47, v57;
	v44 =	vperm.xlane v59, v1;
	(erf) = vrcp.f32 v58;
	v21 =	vpop (erf)  }
0x6e: {  	v47 =	vperm.xlane v36, v3;
	v38 =	vadd.f32 v38, v60;
	(erf) = vpow2.f32 v37;
	v61 =	vpop (erf)  }
0x6f: {  	v40 =	vadd.f32 v63, v23;
	v42 =	vadd.f32 v44, v59;
	v23 =	vpop (erf);
	v62 =	vmul.f32 v61, v22  }
0x70: {  	s28 =	sshll.u32 s26, $0x12;
	s30 =	simm.s32 $0x8090;
	s6 =	simm.s32 $0x8030;
	v37 =	vmul.f32 v43, v31;
	v63 =	vmul.f32 v61, v32;
	v39 =	vadd.f32 v19, v23;
	v22 =	vpop (erf)  }
0x71: {  	s29 =	simm.s32 $0x10090;
	s5 =	simm.s32 $0x150;
	s2 =	simm.s32 $0x8090;
	v41 =	vperm.xlane v40, v2;
	(erf) = vrcp.f32 v38;
	v31 =	vpop (erf);
	[tilespmem:s6+$0x10] =	vst v62  }
0x72: {  	s31 =	simm.s32 $0x10090;
	s0 =	simm.s32 $0x10030;
	s12 =	simm.s32 $0xC0;
	v34 =	vadd.f32 v46, v34;
	v44 =	vperm.xlane v42, v2;
	[tilespmem:s6+$0x20] =	vst v63;
	v46 =	vperm.xlane v39, v0;
	v32 =	vpop (erf)  }
.LBB2_3:
0x73: {  	v48 =	vld [tilespmem:s5+$0xFFFFFFE0];
	s12 =	sadd.s32 $0x60, s12;
	(erf) = vpow2.f32 v33;
	v49 =	vadd.f32 v40, v41;
	s30 =	sadd.s32 $0x60, s30;
	s29 =	sadd.s32 $0x60, s29;
	v33 =	vadd.f32 v47, v36;
	[tilespmem:s6+$0xFFFFFFE0] =	vst v37;
	v36 =	vpop (erf)  }
0x74: {  	v37 =	vmovc v12;
	v47 =	vld [tilespmem:s5+$0x20];
	p1 =	slt.u32 s12, $0x3F60;
	v40 =	vadd.f32 v46, v39;
	(erf) = vpow2.f32 v35;
	v35 =	vperm.xlane v45, v3;
	v39 =	vmovc v26  }
0x75: {  	v50 =	vadd.f32 v32, v7;
	v56 =	vmul.f32 v43, v16;
	v46 =	vld [tilespmem:s5+$0xFFFFFFD0];
	v12 =	vpop (erf);
	(erf) = vrcp.f32 v33  }
0x76: {  	v51 =	vmul.f32 v36, v17;
	v41 =	vld [tilespmem:s5+$0x10];
	v43 =	vadd.f32 v27, v12;
	v45 =	vadd.f32 v45, v35;
	v26 =	vpop (erf)  }
0x77: {  	v53 =	vadd.f32 v31, v5;
	v57 =	vperm.xlane v49, v3;
	v52 =	vld [tilespmem:s5+$0x0];
	v38 =	vpop (erf);
	[tilespmem:s6+$0xFFFFFFD0] =	vst v56;
	v35 =	vmul.f32 v26, v15  }
0x78: {  	v42 =	vadd.f32 v44, v42;
	v16 =	vmovc v9;
	v9 =	vmovc v12;
	v54 =	vmul.f32 $1.442695020e+00, v48;
	v48 =	vsub.f32 $0.0e+00, v48;
	v55 =	vld [tilespmem:s5+$0xFFFFFFF0]  }
0x79: {  	v17 =	vmovc v14;
	v44 =	vperm.xlane v50, v0;
	v12 =	vmovc v27;
	v49 =	vadd.f32 v49, v57;
	v33 =	vmul.f32 $1.442695020e+00, v47  }
0x7a: {  	v27 =	vmul.f32 v26, v30;
	v15 =	vmovc v5;
	v5 =	vmovc v25;
	v57 =	vsub.f32 $0.0e+00, v47;
	v47 =	vperm.xlane v40, v1  }
0x7b: {  	v18 =	vmul.f32 v36, v18;
	v25 =	vmul.f32 $1.442695020e+00, v48;
	v30 =	vsub.f32 $0.0e+00, v41;
	v36 =	vpop (erf)  }
0x7c: {  	v56 =	vmul.f32 $1.442695020e+00, v57;
	v48 =	vsub.f32 $0.0e+00, v52;
	v26 =	vpop (erf);
	v57 =	vmul.f32 v36, v28;
	[tilespmem:s0+$0x20] =	vst v27  }
0x7d: {  	v27 =	vsub.f32 $0.0e+00, v46;
	v13 =	vmul.f32 v36, v13;
	v30 =	vmul.f32 $1.442695020e+00, v30;
	v14 =	vpop (erf);
	[tilespmem:s0+$0x10] =	vst v35  }
0x7e: {  	v36 =	vperm.xlane v53, v0;
	v35 =	vsub.f32 $0.0e+00, v55;
	v48 =	vmul.f32 $1.442695020e+00, v48;
	[tilespmem:s6+$0x0] =	vst v57;
	v28 =	vpop (erf)  }
0x7f: {  	v55 =	vmul.f32 $1.442695020e+00, v55;
	v57 =	vadd.f32 v26, v38;
	v58 =	vmul.f32 v28, v10;
	[tilespmem:s6+$0xFFFFFFF0] =	vst v13;
	v10 =	vmovc v4;
	s6 =	smov.u32 s2;
	s2 =	smov.u32 s30  }
0x80: {  	v36 =	vadd.f32 v36, v53;
	v35 =	vmul.f32 $1.442695020e+00, v35;
	v28 =	vmul.f32 v28, v11;
	v4 =	vmovc v19;
	[tilespmem:s0+$0xFFFFFFF0] =	vst v51  }
0x81: {  	v19 =	vmul.f32 $1.442695020e+00, v27;
	v11 =	vmovc v6;
	v13 =	vmovc v7;
	v7 =	vmov v21;
	(erf) = vpow2.f32 v54;
	[tilespmem:s0+$0xFFFFFFE0] =	vst v58  }
0x82: {  	v6 =	vmovc v23;
	v51 =	vmul.f32 $1.442695020e+00, v52;
	v21 =	vadd.f32 v50, v44;
	v27 =	vperm.xlane v36, v1;
	[tilespmem:s0+$0xFFFFFFD0] =	vst v28  }
0x83: {  	v23 =	vperm.xlane v43, v0;
	v44 =	vadd.f32 v22, v14;
	(erf) = vpow2.f32 v30;
	[tilespmem:s0+$0x0] =	vst v18;
	v18 =	vmovc v8;
	s0 =	smov.u32 s31;
	s31 =	smov.u32 s29  }
0x84: {  	v27 =	vadd.f32 v27, v36;
	v36 =	vmovc v34;
	v8 =	vmovc v22;
	(erf) = vpow2.f32 v25;
	v25 =	vperm.xlane v57, v0  }
0x85: {  	v22 =	vadd.f32 v43, v23;
	v23 =	vperm.xlane v44, v0;
	v30 =	vmovc v31;
	v28 =	vmovc v32;
	(erf) = vrcp.f32 v45  }
0x86: {  	(erf) = vpow2.f32 v55;
	v31 =	vadd.f32 v57, v25;
	v25 =	vperm.xlane v21, v1  }
0x87: {  	v32 =	vmul.f32 $1.442695020e+00, v46;
	v34 =	vperm.xlane v27, v2  }
0x88: {  	v43 =	vperm.xlane v22, v1;
	v21 =	vadd.f32 v21, v25;
	(erf) = vrcp.f32 v49  }
0x89: {  	v34 =	vadd.f32 v34, v27;
	(erf) = vpow2.f32 v19;
	v19 =	vperm.xlane v42, v3  }
0x8a: {  	v22 =	vadd.f32 v22, v43;
	v27 =	vpop (erf);
	(erf) = vpow2.f32 v48;
	v43 =	vperm.xlane v21, v2  }
0x8b: {  	v45 =	vperm.xlane v34, v3;
	(erf) = vpow2.f32 v24;
	v42 =	vadd.f32 v19, v42;
	v24 =	vmovc v56  }
0x8c: {  	v46 =	vperm.xlane v22, v2;
	v25 =	vpop (erf);
	(erf) = vpow2.f32 v29;
	v48 =	vadd.f32 v21, v43  }
0x8d: {  	v47 =	vadd.f32 v47, v40;
	v49 =	vadd.f32 v45, v34;
	v19 =	vpop (erf);
	(erf) = vrcp.f32 v42  }
0x8e: {  	v34 =	vadd.f32 v23, v44;
	v23 =	vperm.xlane v31, v1;
	v42 =	vperm.xlane v48, v3;
	v43 =	vpop (erf)  }
0x8f: {  	v41 =	vmul.f32 $1.442695020e+00, v41;
	v45 =	vadd.f32 v22, v46;
	(erf) = vpow2.f32 v32;
	v21 =	vpop (erf)  }
0x90: {  	v44 =	vperm.xlane v34, v1;
	v40 =	vadd.f32 v31, v23;
	v29 =	vmovc v51;
	(erf) = vrcp.f32 v49  }
.Ltmp2:
0x91: {  	v46 =	vperm.xlane v47, v2;
	v48 =	vadd.f32 v48, v42;
	(erf) = vpow2.f32 v41;
	v32 =	vpop (erf);
	(pc) =	sbr.rel @p1 .LBB2_3-.Ltmp2, $4  }
0x92: {  	v42 =	vadd.f32 v44, v34;
	v23 =	vpop (erf);
	v50 =	vmul.f32 v32, v20;
	v49 =	vmul.f32 v32, v39  }
0x93: {  	v37 =	vmul.f32 v43, v37;
	v41 =	vperm.xlane v40, v2;
	v39 =	vadd.f32 v19, v23;
	v22 =	vpop (erf)  }
0x94: {  	v34 =	vadd.f32 v46, v47;
	v47 =	vperm.xlane v36, v3;
	v44 =	vperm.xlane v42, v2;
	v31 =	vpop (erf);
	[tilespmem:s6+$0x10] =	vst v50  }
0x95: {  	s5 =	sadd.s32 $0x60, s5;
	v20 =	vmov v38;
	v46 =	vperm.xlane v39, v0;
	v32 =	vpop (erf);
	[tilespmem:s6+$0x20] =	vst v49;
	(erf) = vrcp.f32 v48  }
0x96: {  	(erf) = vpow2.f32 v33;
	v58 =	vadd.f32 v47, v36  }
0x97: {  	v59 =	vadd.f32 v40, v41;
	v61 =	vperm.xlane v45, v3;
	v62 =	vadd.f32 v31, v5  }
0x98: {  	v60 =	vpop (erf);
	v63 =	vadd.f32 v32, v7;
	v43 =	vmul.f32 v43, v16;
	(erf) = vpow2.f32 v35  }
0x99: {  	v38 =	vadd.f32 v46, v39;
	v18 =	vmul.f32 v60, v18;
	(erf) = vrcp.f32 v58  }
0x9a: {  	v33 =	vpop (erf);
	v51 =	vperm.xlane v59, v3;
	v39 =	vadd.f32 v45, v61;
	v45 =	vmul.f32 v60, v17  }
0x9b: {  	v53 =	vperm.xlane v62, v0;
	v54 =	vperm.xlane v63, v0;
	v52 =	vpop (erf)  }
0x9c: {  	v48 =	vperm.xlane v38, v1;
	v55 =	vadd.f32 v27, v33;
	v47 =	vmul.f32 v52, v15  }
0x9d: {  	v36 =	vadd.f32 v59, v51;
	v40 =	vadd.f32 v53, v62;
	(erf) = vrcp.f32 v39  }
0x9e: {  	v30 =	vmul.f32 v52, v30;
	v59 =	vadd.f32 v63, v54;
	v60 =	vperm.xlane v55, v0  }
0x9f: {  	v56 =	vadd.f32 v44, v42;
	v16 =	vpop (erf);
	(erf) = vrcp.f32 v36;
	v58 =	vperm.xlane v40, v1  }
0xa0: {  	v62 =	vperm.xlane v59, v1;
	(erf) = vpow2.f32 v24;
	v35 =	vadd.f32 v55, v60  }
0xa1: {  	v53 =	vperm.xlane v56, v3;
	v57 =	vpop (erf);
	v40 =	vadd.f32 v58, v40;
	(erf) = vpow2.f32 v29  }
0xa2: {  	v24 =	vadd.f32 v59, v62;
	v17 =	vpop (erf);
	v28 =	vmul.f32 v57, v28;
	v51 =	vperm.xlane v35, v1  }
0xa3: {  	v13 =	vmul.f32 v57, v13;
	v15 =	vpop (erf);
	v63 =	vadd.f32 v17, v16;
	v50 =	vperm.xlane v40, v2  }
0xa4: {  	v55 =	vperm.xlane v24, v2;
	v61 =	vpop (erf);
	v52 =	vadd.f32 v22, v15;
	v29 =	vadd.f32 v35, v51  }
0xa5: {  	v10 =	vmul.f32 v61, v10;
	v11 =	vmul.f32 v61, v11;
	v40 =	vadd.f32 v50, v40  }
0xa6: {  	v54 =	vperm.xlane v63, v0;
	v24 =	vadd.f32 v24, v55;
	v55 =	vperm.xlane v34, v3  }
0xa7: {  	v36 =	vadd.f32 v53, v56;
	v46 =	vpop (erf);
	v49 =	vperm.xlane v52, v0;
	v57 =	vperm.xlane v29, v2  }
0xa8: {  	v56 =	vperm.xlane v40, v3;
	v41 =	vadd.f32 v63, v54;
	v60 =	vperm.xlane v24, v3;
	v50 =	vpop (erf)  }
0xa9: {  	v12 =	vmul.f32 v46, v12;
	v34 =	vadd.f32 v55, v34;
	v9 =	vmul.f32 v46, v9;
	v35 =	vpop (erf)  }
0xaa: {  	v39 =	vadd.f32 v49, v52;
	v59 =	vperm.xlane v41, v1;
	v58 =	vadd.f32 v35, v25  }
0xab: {  	(erf) = vrcp.f32 v36;
	v29 =	vadd.f32 v29, v57;
	v40 =	vadd.f32 v56, v40;
	v51 =	vpop (erf)  }
0xac: {  	v61 =	vadd.f32 v51, v21;
	v41 =	vadd.f32 v41, v59;
	v52 =	vperm.xlane v58, v0  }
0xad: {  	v24 =	vadd.f32 v24, v60;
	v62 =	vperm.xlane v39, v1;
	(erf) = vrcp.f32 v40  }
0xae: {  	[tilespmem:s6+$0xFFFFFFE0] =	vst v37;
	v63 =	vperm.xlane v61, v0;
	v36 =	vadd.f32 v52, v58;
	v52 =	vperm.xlane v41, v2  }
0xaf: {  	[tilespmem:s6+$0xFFFFFFD0] =	vst v43;
	v60 =	vperm.xlane v29, v3;
	v39 =	vadd.f32 v62, v39;
	(erf) = vrcp.f32 v24  }
0xb0: {  	[tilespmem:s0+$0x20] =	vst v30;
	v53 =	vadd.f32 v61, v63;
	v54 =	vperm.xlane v36, v1;
	v56 =	vadd.f32 v41, v52  }
0xb1: {  	[tilespmem:s0+$0x10] =	vst v47;
	(erf) = vrcp.f32 v34;
	v59 =	vperm.xlane v39, v2  }
0xb2: {  	[tilespmem:s6+$0x0] =	vst v28;
	v58 =	vperm.xlane v53, v1;
	v57 =	vadd.f32 v54, v36;
	v61 =	vperm.xlane v56, v3  }
0xb3: {  	[tilespmem:s6+$0xFFFFFFF0] =	vst v13;
	v20 =	vmul.f32 v50, v20;
	v63 =	vadd.f32 v29, v60;
	v13 =	vadd.f32 v59, v39  }
0xb4: {  	[tilespmem:s0+$0xFFFFFFF0] =	vst v45;
	v30 =	vadd.f32 v53, v58;
	v62 =	vperm.xlane v57, v2;
	v34 =	vadd.f32 v56, v61  }
0xb5: {  	[tilespmem:s0+$0x0] =	vst v18;
	v39 =	vadd.f32 v48, v38;
	(erf) = vrcp.f32 v63;
	v40 =	vperm.xlane v13, v3  }
0xb6: {  	[tilespmem:s0+$0xFFFFFFE0] =	vst v10;
	v41 =	vpop (erf);
	v37 =	vperm.xlane v30, v2;
	v36 =	vadd.f32 v62, v57;
	(erf) = vrcp.f32 v34  }
0xb7: {  	[tilespmem:s0+$0xFFFFFFD0] =	vst v11;
	v26 =	vmul.f32 v50, v26;
	v43 =	vperm.xlane v39, v2  }
0xb8: {  	[tilespmem:s2+$0xFFFFFFE0] =	vst v12;
	v44 =	vpop (erf);
	v10 =	vadd.f32 v40, v13;
	v28 =	vadd.f32 v30, v37;
	v42 =	vperm.xlane v36, v3  }
0xb9: {  	[tilespmem:s2+$0xFFFFFFD0] =	vst v9;
	v18 =	vadd.f32 v43, v39;
	v45 =	vmul.f32 v44, v31;
	v5 =	vmul.f32 v44, v5;
	v47 =	vpop (erf)  }
0xba: {  	[tilespmem:s2+$0x10] =	vst v20;
	v48 =	vmul.f32 v47, v32;
	v53 =	vpop (erf);
	v46 =	vperm.xlane v28, v3;
	v11 =	vadd.f32 v42, v36  }
0xbb: {  	[tilespmem:s2+$0x20] =	vst v26;
	(erf) = vrcp.f32 v10;
	v4 =	vmul.f32 v53, v4  }
0xbc: {  	[tilespmem:s31+$0x10] =	vst v5;
	v5 =	vperm.xlane v18, v3;
	v49 =	vadd.f32 v28, v46;
	(erf) = vrcp.f32 v11  }
0xbd: {  	[tilespmem:s31+$0x20] =	vst v45  }
0xbe: {  	v50 =	vmul.f32 v47, v7;
	[tilespmem:s2+$0x0] =	vst v48;
	v5 =	vadd.f32 v5, v18;
	v54 =	vpop (erf);
	(erf) = vrcp.f32 v49  }
0xbf: {  	v52 =	vmul.f32 v41, v14;
	v6 =	vmul.f32 v53, v6;
	[tilespmem:s31+$0xFFFFFFE0] =	vst v4;
	v4 =	vpop (erf)  }
0xc0: {  	[tilespmem:s2+$0xFFFFFFF0] =	vst v50;
	(erf) = vrcp.f32 v5;
	v5 =	vmul.f32 v4, v16  }
0xc1: {  	v8 =	vmul.f32 v41, v8;
	[tilespmem:s31+$0xFFFFFFF0] =	vst v52  }
0xc2: {  	[tilespmem:s31+$0xFFFFFFD0] =	vst v6  }
0xc3: {  	s30 =	sadd.s32 $0x60, s30;
	[tilespmem:s31+$0x0] =	vst v8;
	v4 =	vmul.f32 v4, v17  }
0xc4: {  	v55 =	vmul.f32 v54, v27;
	[tilespmem:s30+$0x10] =	vst v5;
	v5 =	vpop (erf)  }
0xc5: {  	[tilespmem:s30+$0x20] =	vst v4;
	v4 =	vmul.f32 v54, v33;
	v56 =	vpop (erf)  }
0xc6: {  	[tilespmem:s30+$0xFFFFFFE0] =	vst v55;
	v57 =	vmul.f32 v56, v35  }
0xc7: {  	s12 =	sadd.s32 $0x60, s29;
	[tilespmem:s30+$0xFFFFFFD0] =	vst v4;
	v4 =	vmul.f32 v56, v25;
	v58 =	vpop (erf)  }
0xc8: {  	v59 =	vmul.f32 v58, v51;
	[tilespmem:s12+$0x20] =	vst v57  }
0xc9: {  	v60 =	vmul.f32 v58, v21;
	[tilespmem:s12+$0x10] =	vst v4  }
0xca: {  	v4 =	vmul.f32 v5, v15;
	v61 =	vpop (erf);
	[tilespmem:s30+$0x0] =	vst v59  }
0xcb: {  	v62 =	vmul.f32 v61, v19;
	[tilespmem:s30+$0xFFFFFFF0] =	vst v60  }
0xcc: {  	v63 =	vmul.f32 v61, v23;
	[tilespmem:s12+$0xFFFFFFF0] =	vst v4  }
0xcd: {  	v4 =	vmul.f32 v5, v22;
	[tilespmem:s12+$0xFFFFFFE0] =	vst v62  }
0xce: {  	s5 =	simm.s32 $0x3FA0;
	[tilespmem:s12+$0xFFFFFFD0] =	vst v63  }
0xcf: {  	s6 =	simm.s32 $0x13FD0;
	s0 =	simm.s32 $0xBFD0;
	s2 =	simm.s32 $0x3FD0;
	[tilespmem:s12+$0x0] =	vst v4  }
.LBB2_5:
0xd0: {  	v4 =	vld [tilespmem:s2+$0xFFFFFFF0]  }
0xd1: {  	v5 =	vld [tilespmem:s2+$0x0];
	_ =	sdelay $0x3  }
0xd2: {  	v6 =	vmul.f32 $1.442695020e+00, v4;
	v4 =	vsub.f32 $0.0e+00, v4  }
0xd3: {  	v7 =	vmul.f32 $1.442695020e+00, v5;
	v5 =	vsub.f32 $0.0e+00, v5  }
0xd4: {  	(erf) = vpow2.f32 v6;
	v4 =	vmul.f32 $1.442695020e+00, v4  }
0xd5: {  	v5 =	vmul.f32 $1.442695020e+00, v5;
	(erf) = vpow2.f32 v7  }
0xd6: {  	(erf) = vpow2.f32 v4  }
0xd7: {  	(erf) = vpow2.f32 v5;
	_ =	sdelay $0x5  }
0xd8: {  	v4 =	vpop (erf)  }
0xd9: {  	v5 =	vpop (erf)  }
0xda: {  	v52 =	vpop (erf);
	v53 =	vadd.f32 v5, v4  }
0xdb: {  	v8 =	vpop (erf)  }
0xdc: {  	v9 =	vperm.xlane v53, v0;
	v10 =	vadd.f32 v8, v52;
	_ =	sdelay $0x1  }
0xdd: {  	v7 =	vadd.f32 v53, v9;
	v54 =	vperm.xlane v10, v0;
	_ =	sdelay $0x1  }
0xde: {  	v9 =	vadd.f32 v54, v10;
	v55 =	vperm.xlane v7, v1;
	_ =	sdelay $0x1  }
0xdf: {  	v7 =	vadd.f32 v7, v55;
	v56 =	vperm.xlane v9, v1;
	_ =	sdelay $0x1  }
0xe0: {  	v9 =	vadd.f32 v56, v9;
	v57 =	vperm.xlane v7, v2;
	_ =	sdelay $0x1  }
0xe1: {  	v7 =	vadd.f32 v7, v57;
	v58 =	vperm.xlane v9, v2;
	_ =	sdelay $0x1  }
0xe2: {  	v9 =	vadd.f32 v58, v9;
	v59 =	vperm.xlane v7, v3;
	_ =	sdelay $0x1  }
0xe3: {  	v7 =	vadd.f32 v7, v59;
	v60 =	vperm.xlane v9, v3;
	_ =	sdelay $0x1  }
0xe4: {  	(erf) = vrcp.f32 v7;
	v61 =	vadd.f32 v60, v9;
	_ =	sdelay $0x1  }
0xe5: {  	(erf) = vrcp.f32 v61;
	_ =	sdelay $0x6  }
0xe6: {  	s5 =	sadd.s32 $0x20, s5;
	v62 =	vpop (erf)  }
0xe7: {  	p1 =	slt.u32 s5, $0x3FE0;
	v4 =	vmul.f32 v62, v4  }
.Ltmp3:
0xe8: {  	v5 =	vmul.f32 v62, v5;
	v63 =	vpop (erf);
	(pc) =	sbr.rel @p1 .LBB2_5-.Ltmp3, $4  }
0xe9: {  	[tilespmem:s0+$0xFFFFFFF0] =	vst v4;
	v4 =	vmul.f32 v63, v52  }
0xea: {  	[tilespmem:s0+$0x0] =	vst v5;
	v5 =	vmul.f32 v63, v8  }
0xeb: {  	[tilespmem:s6+$0xFFFFFFF0] =	vst v4  }
0xec: {  	s2 =	sadd.s32 $0x20, s2;
	s0 =	sadd.s32 $0x20, s0;
	[tilespmem:s6+$0x0] =	vst v5;
	s6 =	sadd.s32 $0x20, s6  }
0xed: {  	s29 =	sshll.u32 s26, $0x10  }
0xee: {  	p1 =	sne.s32 s26, $0xF;
	s0 =	sor.u32 s7, s29  }
.Ltmp4:
0xef: {  	s0 =	sshrl.u32 s0, $0x3;
	(pc) =	sbr.rel @p1 .LBB2_8-.Ltmp4, $4  }
0xf0: {  	s2 =	sadd.s32 s4, s0  }
0xf1: {  	[hbm4b:s2+s13] =	stream.strided.scatter [tilespmem:s18], [sflag:$0x3], $0x4000, s17, s13, $0x38;
	[tilespmem:$0x18000] =	vst v63  }
0xf2: {  	s0 =	sadd.s32 s0, s8  }
0xf3: {  	[hbm4b:s0+s13] =	stream.strided.scatter [tilespmem:s19], [sflag:$0x3], $0x4000, s17, s13, $0x38;
	[tilespmem:$0x18000] =	vst v63  }
.Ltmp5:
0xf4: {  	(pc) =	sbr.rel .LBB2_9-.Ltmp5, $4  }
0xf5: {  	_ = 	snop  }
0xf6: {  	_ =	swait.ge [sflag:s20], $0x4000  }
0xf7: {  	[sflag:s20] =	ssyncset.done $0x0  }
0xf8: {  	[sflag:s20] =	ssyncadd.s32 $0xFFFFC000  }
.LBB2_8:
0xf9: {  	s0 =	sadd.s32 s28, s9  }
0xfa: {  	s0 =	sshrl.u32 s0, $0x3  }
.Ltmp6:
0xfb: {  	s0 =	sadd.s32 s1, s0;
	(pc) =	sbr.rel @p0 .LBB2_10-.Ltmp6, $4  }
0xfc: {  	[tilespmem:s3], [sflag:$0x1] =	stream.strided.gather [hbm4b:s0+s13], $0x4000, s14, s13, $0x38;
	[tilespmem:$0x18000] =	vst v63  }
0xfd: {  	_ =	swait.ge [sflag:s20], $0x4000  }
0xfe: {  	[sflag:s20] =	ssyncset.done $0x0  }
0xff: {  	[sflag:s20] =	ssyncadd.s32 $0xFFFFC000  }
.LBB2_9:
0x100: {  	_ =	swait.ge [sflag:s21], $0x4000  }
0x101: {  	[sflag:s21] =	ssyncset.done $0x0  }
0x102: {  	[sflag:s21] =	ssyncadd.s32 $0xFFFFC000  }
0x103: {  	_ =	swait.ge [sflag:s21], $0x4000  }
0x104: {  	[sflag:s21] =	ssyncset.done $0x0  }
0x105: {  	[sflag:s21] =	ssyncadd.s32 $0xFFFFC000  }
.LBB2_10:
0x106: {  	s0 =	simm.s32 $0x4030  }
0x107: {  	v4 =	vld [tilespmem:s0+$0x10]  }
0x108: {  	v5 =	vld [tilespmem:s0+$0xFFFFFFE0]  }
0x109: {  	v6 =	vld [tilespmem:s0+$0xFFFFFFD0]  }
0x10a: {  	v7 =	vld [tilespmem:s0+$0xFFFFFFF0]  }
0x10b: {  	v8 =	vld [tilespmem:s0+$0x0]  }
0x10c: {  	v9 =	vsub.f32 $0.0e+00, v4  }
0x10d: {  	v10 =	vmul.f32 $1.442695020e+00, v5;
	v5 =	vsub.f32 $0.0e+00, v5  }
0x10e: {  	v9 =	vmul.f32 $1.442695020e+00, v9  }
0x10f: {  	v11 =	vsub.f32 $0.0e+00, v6;
	v5 =	vmul.f32 $1.442695020e+00, v5;
	(erf) = vpow2.f32 v10  }
0x110: {  	v12 =	vsub.f32 $0.0e+00, v8;
	v10 =	vmul.f32 $1.442695020e+00, v7;
	(erf) = vpow2.f32 v9;
	v9 =	vld [tilespmem:s0+$0x20]  }
0x111: {  	v11 =	vmul.f32 $1.442695020e+00, v11;
	(erf) = vpow2.f32 v5  }
0x112: {  	s12 =	simm.s32 $0x4090;
	v5 =	vmul.f32 $1.442695020e+00, v12;
	(erf) = vpow2.f32 v10  }
0x113: {  	v14 =	vld [tilespmem:s12+$0x10];
	v6 =	vmul.f32 $1.442695020e+00, v6;
	(erf) = vpow2.f32 v11  }
0x114: {  	v4 =	vmul.f32 $1.442695020e+00, v4;
	v7 =	vsub.f32 $0.0e+00, v7;
	(erf) = vpow2.f32 v5  }
0x115: {  	v5 =	vld [tilespmem:s12+$0xFFFFFFE0];
	v10 =	vmul.f32 $1.442695020e+00, v9;
	(erf) = vpow2.f32 v6  }
0x116: {  	v17 =	vld [tilespmem:s12+$0x20];
	v6 =	vmul.f32 $1.442695020e+00, v7;
	(erf) = vpow2.f32 v4  }
0x117: {  	v4 =	vld [tilespmem:s12+$0xFFFFFFD0];
	(erf) = vpow2.f32 v10  }
0x118: {  	v11 =	vsub.f32 $0.0e+00, v14;
	v7 =	vsub.f32 $0.0e+00, v9;
	v9 =	vld [tilespmem:s12+$0xFFFFFFF0];
	v31 =	vpop (erf);
	(erf) = vpow2.f32 v6  }
0x119: {  	v8 =	vmul.f32 $1.442695020e+00, v8;
	v6 =	vld [tilespmem:s12+$0x0];
	v15 =	vpop (erf)  }
0x11a: {  	v16 =	vmul.f32 $1.442695020e+00, v11;
	v12 =	vmul.f32 $1.442695020e+00, v5;
	v5 =	vsub.f32 $0.0e+00, v5;
	v10 =	vpop (erf)  }
0x11b: {  	v23 =	vmul.f32 $1.442695020e+00, v17;
	v7 =	vmul.f32 $1.442695020e+00, v7;
	v13 =	vpop (erf)  }
0x11c: {  	s24 =	simm.s32 $0x40F0;
	v5 =	vmul.f32 $1.442695020e+00, v5;
	v19 =	vsub.f32 $0.0e+00, v4;
	(erf) = vpow2.f32 v12;
	v11 =	vpop (erf)  }
0x11d: {  	v29 =	vld [tilespmem:s24+$0xFFFFFFE0];
	v20 =	vmul.f32 $1.442695020e+00, v9;
	(erf) = vpow2.f32 v16;
	v12 =	vadd.f32 v10, v11;
	v18 =	vpop (erf)  }
0x11e: {  	v21 =	vsub.f32 $0.0e+00, v6;
	v19 =	vmul.f32 $1.442695020e+00, v19;
	(erf) = vpow2.f32 v5;
	v16 =	vpop (erf)  }
0x11f: {  	(erf) = vpow2.f32 v20;
	v5 =	vperm.xlane v12, v0;
	v20 =	vadd.f32 v31, v16;
	v22 =	vpop (erf)  }
0x120: {  	v24 =	vsub.f32 $0.0e+00, v17;
	v21 =	vmul.f32 $1.442695020e+00, v21;
	(erf) = vpow2.f32 v19;
	v32 =	vpop (erf)  }
0x121: {  	v43 =	vld [tilespmem:s24+$0xFFFFFFF0];
	v19 =	vadd.f32 v5, v12;
	v17 =	vpop (erf);
	v5 =	vadd.f32 v32, v22;
	v12 =	vperm.xlane v20, v0  }
0x122: {  	v44 =	vmul.f32 $1.442695020e+00, v29;
	(erf) = vpow2.f32 v21;
	v21 =	vadd.f32 v18, v17  }
0x123: {  	(erf) = vpow2.f32 v7;
	v7 =	vperm.xlane v5, v0;
	v20 =	vadd.f32 v20, v12  }
0x124: {  	v4 =	vmul.f32 $1.442695020e+00, v4;
	(erf) = vpow2.f32 v8;
	v8 =	vsub.f32 $0.0e+00, v9  }
0x125: {  	v9 =	vperm.xlane v21, v0;
	v26 =	vadd.f32 v5, v7;
	v7 =	vperm.xlane v20, v1  }
0x126: {  	v56 =	vsub.f32 $0.0e+00, v43;
	v27 =	vmul.f32 $1.442695020e+00, v24;
	v25 =	vperm.xlane v19, v1;
	v12 =	vpop (erf)  }
0x127: {  	(erf) = vpow2.f32 v4;
	v24 =	vmul.f32 $1.442695020e+00, v8;
	v5 =	vpop (erf);
	v8 =	vadd.f32 v9, v21  }
0x128: {  	v14 =	vmul.f32 $1.442695020e+00, v14;
	v4 =	vpop (erf);
	v9 =	vadd.f32 v20, v7;
	v20 =	vperm.xlane v26, v1  }
0x129: {  	v19 =	vadd.f32 v25, v19;
	v21 =	vmul.f32 $1.442695020e+00, v6;
	v25 =	vperm.xlane v8, v1;
	v7 =	vpop (erf)  }
0x12a: {  	v28 =	vperm.xlane v9, v2;
	v20 =	vadd.f32 v26, v20;
	v6 =	vpop (erf);
	(erf) = vpow2.f32 v14  }
0x12b: {  	v35 =	vld [tilespmem:s24+$0x20];
	v14 =	vperm.xlane v19, v2;
	v25 =	vadd.f32 v25, v8;
	v26 =	vadd.f32 v4, v6  }
0x12c: {  	v43 =	vmul.f32 $1.442695020e+00, v43;
	v8 =	vpop (erf);
	v33 =	vadd.f32 v9, v28;
	v9 =	vperm.xlane v20, v2  }
0x12d: {  	v30 =	vpop (erf);
	v36 =	vadd.f32 v14, v19;
	v14 =	vperm.xlane v25, v2;
	v34 =	vperm.xlane v26, v0  }
0x12e: {  	v40 =	vld [tilespmem:s24+$0x0];
	v28 =	vpop (erf);
	(erf) = vpow2.f32 v23;
	v23 =	vadd.f32 v20, v9;
	v42 =	vadd.f32 v30, v15  }
0x12f: {  	v37 =	vld [tilespmem:s24+$0x10];
	v20 =	vperm.xlane v33, v3;
	v38 =	vadd.f32 v28, v13;
	v25 =	vadd.f32 v14, v25  }
0x130: {  	v19 =	vld [tilespmem:s24+$0xFFFFFFD0];
	v14 =	vsub.f32 $0.0e+00, v35;
	v34 =	vadd.f32 v34, v26;
	v9 =	vpop (erf);
	(erf) = vpow2.f32 v24  }
0x131: {  	v41 =	vadd.f32 v33, v20;
	v26 =	vperm.xlane v23, v3;
	v33 =	vmul.f32 $1.442695020e+00, v35  }
0x132: {  	v20 =	vsub.f32 $0.0e+00, v29;
	v49 =	vperm.xlane v42, v0;
	v35 =	vmul.f32 $1.442695020e+00, v56  }
0x133: {  	v29 =	vsub.f32 $0.0e+00, v40;
	v45 =	vperm.xlane v38, v0;
	v24 =	vmul.f32 $1.442695020e+00, v14  }
0x134: {  	v39 =	vadd.f32 v12, v9;
	(erf) = vpow2.f32 v44;
	v46 =	vperm.xlane v34, v1  }
0x135: {  	v47 =	vmul.f32 $1.442695020e+00, v20;
	v20 =	vsub.f32 $0.0e+00, v37;
	v14 =	vsub.f32 $0.0e+00, v19  }
0x136: {  	v23 =	vadd.f32 v23, v26;
	v50 =	vmul.f32 $1.442695020e+00, v29;
	v29 =	vmul.f32 $1.442695020e+00, v40  }
0x137: {  	v42 =	vadd.f32 v49, v42;
	v56 =	vmul.f32 $1.442695020e+00, v19;
	v37 =	vmul.f32 $1.442695020e+00, v37  }
0x138: {  	v38 =	vadd.f32 v38, v45;
	v59 =	vperm.xlane v39, v0;
	v48 =	vmul.f32 $1.442695020e+00, v20  }
0x139: {  	v57 =	vmul.f32 $1.442695020e+00, v14;
	v58 =	vperm.xlane v42, v1;
	v34 =	vadd.f32 v46, v34  }
0x13a: {  	v39 =	vadd.f32 v39, v59;
	v62 =	vperm.xlane v38, v1;
	(erf) = vpow2.f32 v48  }
0x13b: {  	v20 =	vpop (erf);
	v40 =	vadd.f32 v58, v42;
	v46 =	vperm.xlane v34, v2;
	(erf) = vpow2.f32 v47  }
0x13c: {  	v26 =	vpop (erf);
	v53 =	vperm.xlane v39, v1;
	v38 =	vadd.f32 v38, v62;
	(erf) = vrcp.f32 v41  }
0x13d: {  	v51 =	vadd.f32 v26, v20;
	v52 =	vperm.xlane v40, v2;
	(erf) = vpow2.f32 v43  }
0x13e: {  	v14 =	vpop (erf);
	v47 =	vadd.f32 v39, v53;
	v54 =	vperm.xlane v38, v2;
	(erf) = vrcp.f32 v23  }
0x13f: {  	v44 =	vadd.f32 v8, v14;
	v23 =	vperm.xlane v25, v3;
	(erf) = vpow2.f32 v57  }
0x140: {  	v60 =	vperm.xlane v51, v0;
	v40 =	vadd.f32 v52, v40;
	(erf) = vpow2.f32 v50  }
0x141: {  	v61 =	vperm.xlane v44, v0;
	v23 =	vadd.f32 v23, v25;
	(erf) = vpow2.f32 v27  }
0x142: {  	v63 =	vadd.f32 v51, v60;
	v55 =	vperm.xlane v40, v3;
	v27 =	vpop (erf);
	(erf) = vpow2.f32 v21  }
0x143: {  	v38 =	vadd.f32 v38, v54;
	v57 =	vperm.xlane v47, v2;
	v25 =	vpop (erf);
	(erf) = vrcp.f32 v23  }
0x144: {  	v58 =	vadd.f32 v55, v40;
	v59 =	vadd.f32 v61, v44;
	v23 =	vperm.xlane v63, v1;
	v19 =	vpop (erf)  }
0x145: {  	v60 =	vperm.xlane v38, v3;
	(erf) = vpow2.f32 v56;
	v43 =	vpop (erf)  }
0x146: {  	v45 =	vadd.f32 v47, v57;
	v44 =	vperm.xlane v59, v1;
	(erf) = vrcp.f32 v58;
	v21 =	vpop (erf)  }
0x147: {  	v47 =	vperm.xlane v36, v3;
	v38 =	vadd.f32 v38, v60;
	(erf) = vpow2.f32 v37;
	v61 =	vpop (erf)  }
0x148: {  	v40 =	vadd.f32 v63, v23;
	v42 =	vadd.f32 v44, v59;
	v23 =	vpop (erf);
	v62 =	vmul.f32 v61, v22  }
0x149: {  	s6 =	simm.s32 $0x14030;
	s12 =	simm.s32 $0xC030;
	v37 =	vmul.f32 v43, v31;
	v63 =	vmul.f32 v61, v32;
	v39 =	vadd.f32 v19, v23;
	v22 =	vpop (erf)  }
0x14a: {  	s5 =	simm.s32 $0xC0;
	s31 =	simm.s32 $0xC090;
	s30 =	simm.s32 $0x14090;
	v41 =	vperm.xlane v40, v2;
	(erf) = vrcp.f32 v38;
	v31 =	vpop (erf);
	[tilespmem:s12+$0x10] =	vst v62  }
0x14b: {  	s2 =	simm.s32 $0x14090;
	s0 =	simm.s32 $0xC090;
	s24 =	simm.s32 $0x4150;
	v34 =	vadd.f32 v46, v34;
	v44 =	vperm.xlane v42, v2;
	[tilespmem:s12+$0x20] =	vst v63;
	v46 =	vperm.xlane v39, v0;
	v32 =	vpop (erf)  }
.LBB2_11:
0x14c: {  	v48 =	vld [tilespmem:s24+$0xFFFFFFE0];
	s5 =	sadd.s32 $0x60, s5;
	(erf) = vpow2.f32 v33;
	v49 =	vadd.f32 v40, v41;
	s31 =	sadd.s32 $0x60, s31;
	s30 =	sadd.s32 $0x60, s30;
	v33 =	vadd.f32 v47, v36;
	[tilespmem:s12+$0xFFFFFFE0] =	vst v37;
	v36 =	vpop (erf)  }
0x14d: {  	v37 =	vmovc v12;
	v47 =	vld [tilespmem:s24+$0x20];
	p0 =	slt.u32 s5, $0x3F60;
	v40 =	vadd.f32 v46, v39;
	(erf) = vpow2.f32 v35;
	v35 =	vperm.xlane v45, v3;
	v39 =	vmovc v26  }
0x14e: {  	v50 =	vadd.f32 v32, v7;
	v56 =	vmul.f32 v43, v16;
	v46 =	vld [tilespmem:s24+$0xFFFFFFD0];
	v12 =	vpop (erf);
	(erf) = vrcp.f32 v33  }
0x14f: {  	v51 =	vmul.f32 v36, v17;
	v41 =	vld [tilespmem:s24+$0x10];
	v43 =	vadd.f32 v27, v12;
	v45 =	vadd.f32 v45, v35;
	v26 =	vpop (erf)  }
0x150: {  	v53 =	vadd.f32 v31, v5;
	v57 =	vperm.xlane v49, v3;
	v52 =	vld [tilespmem:s24+$0x0];
	v38 =	vpop (erf);
	[tilespmem:s12+$0xFFFFFFD0] =	vst v56;
	v35 =	vmul.f32 v26, v15  }
0x151: {  	v42 =	vadd.f32 v44, v42;
	v16 =	vmovc v9;
	v9 =	vmovc v12;
	v54 =	vmul.f32 $1.442695020e+00, v48;
	v48 =	vsub.f32 $0.0e+00, v48;
	v55 =	vld [tilespmem:s24+$0xFFFFFFF0]  }
0x152: {  	v17 =	vmovc v14;
	v44 =	vperm.xlane v50, v0;
	v12 =	vmovc v27;
	v49 =	vadd.f32 v49, v57;
	v33 =	vmul.f32 $1.442695020e+00, v47  }
0x153: {  	v27 =	vmul.f32 v26, v30;
	v15 =	vmovc v5;
	v5 =	vmovc v25;
	v57 =	vsub.f32 $0.0e+00, v47;
	v47 =	vperm.xlane v40, v1  }
0x154: {  	v18 =	vmul.f32 v36, v18;
	v25 =	vmul.f32 $1.442695020e+00, v48;
	v30 =	vsub.f32 $0.0e+00, v41;
	v36 =	vpop (erf)  }
0x155: {  	v56 =	vmul.f32 $1.442695020e+00, v57;
	v48 =	vsub.f32 $0.0e+00, v52;
	v26 =	vpop (erf);
	v57 =	vmul.f32 v36, v28;
	[tilespmem:s6+$0x20] =	vst v27  }
0x156: {  	v27 =	vsub.f32 $0.0e+00, v46;
	v13 =	vmul.f32 v36, v13;
	v30 =	vmul.f32 $1.442695020e+00, v30;
	v14 =	vpop (erf);
	[tilespmem:s6+$0x10] =	vst v35  }
0x157: {  	v36 =	vperm.xlane v53, v0;
	v35 =	vsub.f32 $0.0e+00, v55;
	v48 =	vmul.f32 $1.442695020e+00, v48;
	[tilespmem:s12+$0x0] =	vst v57;
	v28 =	vpop (erf)  }
0x158: {  	v55 =	vmul.f32 $1.442695020e+00, v55;
	v57 =	vadd.f32 v26, v38;
	v58 =	vmul.f32 v28, v10;
	[tilespmem:s12+$0xFFFFFFF0] =	vst v13;
	v10 =	vmovc v4;
	s12 =	smov.u32 s0;
	s0 =	smov.u32 s31  }
0x159: {  	v36 =	vadd.f32 v36, v53;
	v35 =	vmul.f32 $1.442695020e+00, v35;
	v28 =	vmul.f32 v28, v11;
	v4 =	vmovc v19;
	[tilespmem:s6+$0xFFFFFFF0] =	vst v51  }
0x15a: {  	v19 =	vmul.f32 $1.442695020e+00, v27;
	v11 =	vmovc v6;
	v13 =	vmovc v7;
	v7 =	vmov v21;
	(erf) = vpow2.f32 v54;
	[tilespmem:s6+$0xFFFFFFE0] =	vst v58  }
0x15b: {  	v6 =	vmovc v23;
	v51 =	vmul.f32 $1.442695020e+00, v52;
	v21 =	vadd.f32 v50, v44;
	v27 =	vperm.xlane v36, v1;
	[tilespmem:s6+$0xFFFFFFD0] =	vst v28  }
0x15c: {  	v23 =	vperm.xlane v43, v0;
	v44 =	vadd.f32 v22, v14;
	(erf) = vpow2.f32 v30;
	[tilespmem:s6+$0x0] =	vst v18;
	v18 =	vmovc v8;
	s6 =	smov.u32 s2;
	s2 =	smov.u32 s30  }
0x15d: {  	v27 =	vadd.f32 v27, v36;
	v36 =	vmovc v34;
	v8 =	vmovc v22;
	(erf) = vpow2.f32 v25;
	v25 =	vperm.xlane v57, v0  }
0x15e: {  	v22 =	vadd.f32 v43, v23;
	v23 =	vperm.xlane v44, v0;
	v30 =	vmovc v31;
	v28 =	vmovc v32;
	(erf) = vrcp.f32 v45  }
0x15f: {  	(erf) = vpow2.f32 v55;
	v31 =	vadd.f32 v57, v25;
	v25 =	vperm.xlane v21, v1  }
0x160: {  	v32 =	vmul.f32 $1.442695020e+00, v46;
	v34 =	vperm.xlane v27, v2  }
0x161: {  	v43 =	vperm.xlane v22, v1;
	v21 =	vadd.f32 v21, v25;
	(erf) = vrcp.f32 v49  }
0x162: {  	v34 =	vadd.f32 v34, v27;
	(erf) = vpow2.f32 v19;
	v19 =	vperm.xlane v42, v3  }
0x163: {  	v22 =	vadd.f32 v22, v43;
	v27 =	vpop (erf);
	(erf) = vpow2.f32 v48;
	v43 =	vperm.xlane v21, v2  }
0x164: {  	v45 =	vperm.xlane v34, v3;
	(erf) = vpow2.f32 v24;
	v42 =	vadd.f32 v19, v42;
	v24 =	vmovc v56  }
0x165: {  	v46 =	vperm.xlane v22, v2;
	v25 =	vpop (erf);
	(erf) = vpow2.f32 v29;
	v48 =	vadd.f32 v21, v43  }
0x166: {  	v47 =	vadd.f32 v47, v40;
	v49 =	vadd.f32 v45, v34;
	v19 =	vpop (erf);
	(erf) = vrcp.f32 v42  }
0x167: {  	v34 =	vadd.f32 v23, v44;
	v23 =	vperm.xlane v31, v1;
	v42 =	vperm.xlane v48, v3;
	v43 =	vpop (erf)  }
0x168: {  	v41 =	vmul.f32 $1.442695020e+00, v41;
	v45 =	vadd.f32 v22, v46;
	(erf) = vpow2.f32 v32;
	v21 =	vpop (erf)  }
0x169: {  	v44 =	vperm.xlane v34, v1;
	v40 =	vadd.f32 v31, v23;
	v29 =	vmovc v51;
	(erf) = vrcp.f32 v49  }
.Ltmp7:
0x16a: {  	v46 =	vperm.xlane v47, v2;
	v48 =	vadd.f32 v48, v42;
	(erf) = vpow2.f32 v41;
	v32 =	vpop (erf);
	(pc) =	sbr.rel @p0 .LBB2_11-.Ltmp7, $4  }
0x16b: {  	v42 =	vadd.f32 v44, v34;
	v23 =	vpop (erf);
	v50 =	vmul.f32 v32, v20;
	v49 =	vmul.f32 v32, v39  }
0x16c: {  	v37 =	vmul.f32 v43, v37;
	v41 =	vperm.xlane v40, v2;
	v39 =	vadd.f32 v19, v23;
	v22 =	vpop (erf)  }
0x16d: {  	v34 =	vadd.f32 v46, v47;
	v47 =	vperm.xlane v36, v3;
	v44 =	vperm.xlane v42, v2;
	v31 =	vpop (erf);
	[tilespmem:s12+$0x10] =	vst v50  }
0x16e: {  	s24 =	sadd.s32 $0x60, s24;
	v20 =	vmov v38;
	v46 =	vperm.xlane v39, v0;
	v32 =	vpop (erf);
	[tilespmem:s12+$0x20] =	vst v49;
	(erf) = vrcp.f32 v48  }
0x16f: {  	(erf) = vpow2.f32 v33;
	v58 =	vadd.f32 v47, v36  }
0x170: {  	v59 =	vadd.f32 v40, v41;
	v61 =	vperm.xlane v45, v3;
	v62 =	vadd.f32 v31, v5  }
0x171: {  	v60 =	vpop (erf);
	v63 =	vadd.f32 v32, v7;
	v43 =	vmul.f32 v43, v16;
	(erf) = vpow2.f32 v35  }
0x172: {  	v38 =	vadd.f32 v46, v39;
	v18 =	vmul.f32 v60, v18;
	(erf) = vrcp.f32 v58  }
0x173: {  	v33 =	vpop (erf);
	v51 =	vperm.xlane v59, v3;
	v39 =	vadd.f32 v45, v61;
	v45 =	vmul.f32 v60, v17  }
0x174: {  	v53 =	vperm.xlane v62, v0;
	v54 =	vperm.xlane v63, v0;
	v52 =	vpop (erf)  }
0x175: {  	v48 =	vperm.xlane v38, v1;
	v55 =	vadd.f32 v27, v33;
	v47 =	vmul.f32 v52, v15  }
0x176: {  	v36 =	vadd.f32 v59, v51;
	v40 =	vadd.f32 v53, v62;
	(erf) = vrcp.f32 v39  }
0x177: {  	v30 =	vmul.f32 v52, v30;
	v59 =	vadd.f32 v63, v54;
	v60 =	vperm.xlane v55, v0  }
0x178: {  	v56 =	vadd.f32 v44, v42;
	v16 =	vpop (erf);
	(erf) = vrcp.f32 v36;
	v58 =	vperm.xlane v40, v1  }
0x179: {  	v62 =	vperm.xlane v59, v1;
	(erf) = vpow2.f32 v24;
	v35 =	vadd.f32 v55, v60  }
0x17a: {  	v53 =	vperm.xlane v56, v3;
	v57 =	vpop (erf);
	v40 =	vadd.f32 v58, v40;
	(erf) = vpow2.f32 v29  }
0x17b: {  	v24 =	vadd.f32 v59, v62;
	v17 =	vpop (erf);
	v28 =	vmul.f32 v57, v28;
	v51 =	vperm.xlane v35, v1  }
0x17c: {  	v13 =	vmul.f32 v57, v13;
	v15 =	vpop (erf);
	v63 =	vadd.f32 v17, v16;
	v50 =	vperm.xlane v40, v2  }
0x17d: {  	v55 =	vperm.xlane v24, v2;
	v61 =	vpop (erf);
	v52 =	vadd.f32 v22, v15;
	v29 =	vadd.f32 v35, v51  }
0x17e: {  	v10 =	vmul.f32 v61, v10;
	v11 =	vmul.f32 v61, v11;
	v40 =	vadd.f32 v50, v40  }
0x17f: {  	v54 =	vperm.xlane v63, v0;
	v24 =	vadd.f32 v24, v55;
	v55 =	vperm.xlane v34, v3  }
0x180: {  	v36 =	vadd.f32 v53, v56;
	v46 =	vpop (erf);
	v49 =	vperm.xlane v52, v0;
	v57 =	vperm.xlane v29, v2  }
0x181: {  	v56 =	vperm.xlane v40, v3;
	v41 =	vadd.f32 v63, v54;
	v60 =	vperm.xlane v24, v3;
	v50 =	vpop (erf)  }
0x182: {  	v12 =	vmul.f32 v46, v12;
	v34 =	vadd.f32 v55, v34;
	v9 =	vmul.f32 v46, v9;
	v35 =	vpop (erf)  }
0x183: {  	v39 =	vadd.f32 v49, v52;
	v59 =	vperm.xlane v41, v1;
	v58 =	vadd.f32 v35, v25  }
0x184: {  	(erf) = vrcp.f32 v36;
	v29 =	vadd.f32 v29, v57;
	v40 =	vadd.f32 v56, v40;
	v51 =	vpop (erf)  }
0x185: {  	v61 =	vadd.f32 v51, v21;
	v41 =	vadd.f32 v41, v59;
	v52 =	vperm.xlane v58, v0  }
0x186: {  	v24 =	vadd.f32 v24, v60;
	v62 =	vperm.xlane v39, v1;
	(erf) = vrcp.f32 v40  }
0x187: {  	[tilespmem:s12+$0xFFFFFFE0] =	vst v37;
	v63 =	vperm.xlane v61, v0;
	v36 =	vadd.f32 v52, v58;
	v52 =	vperm.xlane v41, v2  }
0x188: {  	[tilespmem:s12+$0xFFFFFFD0] =	vst v43;
	v60 =	vperm.xlane v29, v3;
	v39 =	vadd.f32 v62, v39;
	(erf) = vrcp.f32 v24  }
0x189: {  	[tilespmem:s6+$0x20] =	vst v30;
	v53 =	vadd.f32 v61, v63;
	v54 =	vperm.xlane v36, v1;
	v56 =	vadd.f32 v41, v52  }
0x18a: {  	[tilespmem:s6+$0x10] =	vst v47;
	(erf) = vrcp.f32 v34;
	v59 =	vperm.xlane v39, v2  }
0x18b: {  	[tilespmem:s12+$0x0] =	vst v28;
	v58 =	vperm.xlane v53, v1;
	v57 =	vadd.f32 v54, v36;
	v61 =	vperm.xlane v56, v3  }
0x18c: {  	[tilespmem:s12+$0xFFFFFFF0] =	vst v13;
	v20 =	vmul.f32 v50, v20;
	v63 =	vadd.f32 v29, v60;
	v13 =	vadd.f32 v59, v39  }
0x18d: {  	[tilespmem:s6+$0xFFFFFFF0] =	vst v45;
	v30 =	vadd.f32 v53, v58;
	v62 =	vperm.xlane v57, v2;
	v34 =	vadd.f32 v56, v61  }
0x18e: {  	[tilespmem:s6+$0x0] =	vst v18;
	v39 =	vadd.f32 v48, v38;
	(erf) = vrcp.f32 v63;
	v40 =	vperm.xlane v13, v3  }
0x18f: {  	[tilespmem:s6+$0xFFFFFFE0] =	vst v10;
	v41 =	vpop (erf);
	v37 =	vperm.xlane v30, v2;
	v36 =	vadd.f32 v62, v57;
	(erf) = vrcp.f32 v34  }
0x190: {  	[tilespmem:s6+$0xFFFFFFD0] =	vst v11;
	v26 =	vmul.f32 v50, v26;
	v43 =	vperm.xlane v39, v2  }
0x191: {  	[tilespmem:s0+$0xFFFFFFE0] =	vst v12;
	v44 =	vpop (erf);
	v10 =	vadd.f32 v40, v13;
	v28 =	vadd.f32 v30, v37;
	v42 =	vperm.xlane v36, v3  }
0x192: {  	[tilespmem:s0+$0xFFFFFFD0] =	vst v9;
	v18 =	vadd.f32 v43, v39;
	v45 =	vmul.f32 v44, v31;
	v5 =	vmul.f32 v44, v5;
	v47 =	vpop (erf)  }
0x193: {  	[tilespmem:s0+$0x10] =	vst v20;
	v48 =	vmul.f32 v47, v32;
	v53 =	vpop (erf);
	v46 =	vperm.xlane v28, v3;
	v11 =	vadd.f32 v42, v36  }
0x194: {  	[tilespmem:s0+$0x20] =	vst v26;
	(erf) = vrcp.f32 v10;
	v4 =	vmul.f32 v53, v4  }
0x195: {  	[tilespmem:s2+$0x10] =	vst v5;
	v5 =	vperm.xlane v18, v3;
	v49 =	vadd.f32 v28, v46;
	(erf) = vrcp.f32 v11  }
0x196: {  	[tilespmem:s2+$0x20] =	vst v45  }
0x197: {  	v50 =	vmul.f32 v47, v7;
	[tilespmem:s0+$0x0] =	vst v48;
	v5 =	vadd.f32 v5, v18;
	v54 =	vpop (erf);
	(erf) = vrcp.f32 v49  }
0x198: {  	v52 =	vmul.f32 v41, v14;
	v6 =	vmul.f32 v53, v6;
	[tilespmem:s2+$0xFFFFFFE0] =	vst v4;
	v4 =	vpop (erf)  }
0x199: {  	[tilespmem:s0+$0xFFFFFFF0] =	vst v50;
	(erf) = vrcp.f32 v5;
	v5 =	vmul.f32 v4, v16  }
0x19a: {  	v8 =	vmul.f32 v41, v8;
	[tilespmem:s2+$0xFFFFFFF0] =	vst v52  }
0x19b: {  	[tilespmem:s2+$0xFFFFFFD0] =	vst v6  }
0x19c: {  	s24 =	sadd.s32 $0x60, s31;
	[tilespmem:s2+$0x0] =	vst v8;
	v4 =	vmul.f32 v4, v17  }
0x19d: {  	v55 =	vmul.f32 v54, v27;
	[tilespmem:s24+$0x10] =	vst v5;
	v5 =	vpop (erf)  }
0x19e: {  	[tilespmem:s24+$0x20] =	vst v4;
	v4 =	vmul.f32 v54, v33;
	v56 =	vpop (erf)  }
0x19f: {  	[tilespmem:s24+$0xFFFFFFE0] =	vst v55;
	v57 =	vmul.f32 v56, v35  }
0x1a0: {  	s31 =	sadd.s32 $0x60, s30;
	[tilespmem:s24+$0xFFFFFFD0] =	vst v4;
	v4 =	vmul.f32 v56, v25;
	v58 =	vpop (erf)  }
0x1a1: {  	v59 =	vmul.f32 v58, v51;
	[tilespmem:s31+$0x20] =	vst v57  }
0x1a2: {  	v60 =	vmul.f32 v58, v21;
	[tilespmem:s31+$0x10] =	vst v4  }
0x1a3: {  	v4 =	vmul.f32 v5, v15;
	v61 =	vpop (erf);
	[tilespmem:s24+$0x0] =	vst v59  }
0x1a4: {  	v62 =	vmul.f32 v61, v19;
	[tilespmem:s24+$0xFFFFFFF0] =	vst v60  }
0x1a5: {  	v63 =	vmul.f32 v61, v23;
	[tilespmem:s31+$0xFFFFFFF0] =	vst v4  }
0x1a6: {  	v4 =	vmul.f32 v5, v22;
	[tilespmem:s31+$0xFFFFFFE0] =	vst v62  }
0x1a7: {  	s5 =	simm.s32 $0x3FA0;
	[tilespmem:s31+$0xFFFFFFD0] =	vst v63  }
0x1a8: {  	s6 =	simm.s32 $0x17FD0;
	s0 =	simm.s32 $0xFFD0;
	s2 =	simm.s32 $0x7FD0;
	[tilespmem:s31+$0x0] =	vst v4  }
.LBB2_13:
0x1a9: {  	v4 =	vld [tilespmem:s2+$0xFFFFFFF0]  }
0x1aa: {  	v5 =	vld [tilespmem:s2+$0x0];
	_ =	sdelay $0x3  }
0x1ab: {  	v6 =	vmul.f32 $1.442695020e+00, v4;
	v4 =	vsub.f32 $0.0e+00, v4  }
0x1ac: {  	v7 =	vmul.f32 $1.442695020e+00, v5;
	v5 =	vsub.f32 $0.0e+00, v5  }
0x1ad: {  	(erf) = vpow2.f32 v6;
	v4 =	vmul.f32 $1.442695020e+00, v4  }
0x1ae: {  	v5 =	vmul.f32 $1.442695020e+00, v5;
	(erf) = vpow2.f32 v7  }
0x1af: {  	(erf) = vpow2.f32 v4  }
0x1b0: {  	(erf) = vpow2.f32 v5;
	_ =	sdelay $0x5  }
0x1b1: {  	v4 =	vpop (erf)  }
0x1b2: {  	v5 =	vpop (erf)  }
0x1b3: {  	v52 =	vpop (erf);
	v53 =	vadd.f32 v5, v4  }
0x1b4: {  	v8 =	vpop (erf)  }
0x1b5: {  	v9 =	vperm.xlane v53, v0;
	v10 =	vadd.f32 v8, v52;
	_ =	sdelay $0x1  }
0x1b6: {  	v7 =	vadd.f32 v53, v9;
	v54 =	vperm.xlane v10, v0;
	_ =	sdelay $0x1  }
0x1b7: {  	v9 =	vadd.f32 v54, v10;
	v55 =	vperm.xlane v7, v1;
	_ =	sdelay $0x1  }
0x1b8: {  	v7 =	vadd.f32 v7, v55;
	v56 =	vperm.xlane v9, v1;
	_ =	sdelay $0x1  }
0x1b9: {  	v9 =	vadd.f32 v56, v9;
	v57 =	vperm.xlane v7, v2;
	_ =	sdelay $0x1  }
0x1ba: {  	v7 =	vadd.f32 v7, v57;
	v58 =	vperm.xlane v9, v2;
	_ =	sdelay $0x1  }
0x1bb: {  	v9 =	vadd.f32 v58, v9;
	v59 =	vperm.xlane v7, v3;
	_ =	sdelay $0x1  }
0x1bc: {  	v7 =	vadd.f32 v7, v59;
	v60 =	vperm.xlane v9, v3;
	_ =	sdelay $0x1  }
0x1bd: {  	(erf) = vrcp.f32 v7;
	v61 =	vadd.f32 v60, v9;
	_ =	sdelay $0x1  }
0x1be: {  	(erf) = vrcp.f32 v61;
	_ =	sdelay $0x6  }
0x1bf: {  	s5 =	sadd.s32 $0x20, s5;
	v62 =	vpop (erf)  }
0x1c0: {  	p0 =	slt.u32 s5, $0x3FE0;
	v4 =	vmul.f32 v62, v4  }
.Ltmp8:
0x1c1: {  	v5 =	vmul.f32 v62, v5;
	v63 =	vpop (erf);
	(pc) =	sbr.rel @p0 .LBB2_13-.Ltmp8, $4  }
0x1c2: {  	[tilespmem:s0+$0xFFFFFFF0] =	vst v4;
	v4 =	vmul.f32 v63, v52  }
0x1c3: {  	[tilespmem:s0+$0x0] =	vst v5;
	v5 =	vmul.f32 v63, v8  }
0x1c4: {  	[tilespmem:s6+$0xFFFFFFF0] =	vst v4  }
0x1c5: {  	s2 =	sadd.s32 $0x20, s2;
	s0 =	sadd.s32 $0x20, s0;
	[tilespmem:s6+$0x0] =	vst v5;
	s6 =	sadd.s32 $0x20, s6  }
0x1c6: {  	s0 =	sor.u32 s10, s29;
	p0 =	seq.s32 s26, $0xF  }
.Ltmp9:
0x1c7: {  	s0 =	sshrl.u32 s0, $0x3;
	(pc) =	sbr.rel @p0 .LBB2_16-.Ltmp9, $4  }
0x1c8: {  	s2 =	sadd.s32 s4, s0  }
0x1c9: {  	[hbm4b:s2+s13] =	stream.strided.scatter [tilespmem:s22], [sflag:$0x4], $0x4000, s17, s13, $0x38;
	[tilespmem:$0x18000] =	vst v63  }
0x1ca: {  	s0 =	sadd.s32 s0, s8  }
0x1cb: {  	[hbm4b:s0+s13] =	stream.strided.scatter [tilespmem:s23], [sflag:$0x4], $0x4000, s17, s13, $0x38;
	[tilespmem:$0x18000] =	vst v63  }
.Ltmp10:
0x1cc: {  	(pc) =	sbr.rel .LBB2_2-.Ltmp10, $4  }
0x1cd: {  	s0 =	sadd.s32 s28, s11  }
0x1ce: {  	s0 =	sshrl.u32 s0, $0x3  }
0x1cf: {  	s26 =	sadd.s32 $0x1, s26;
	s0 =	sadd.s32 s1, s0  }
0x1d0: {  	[tilespmem:s15], [sflag:$0x2] =	stream.strided.gather [hbm4b:s0+s13], $0x4000, s14, s13, $0x38;
	[tilespmem:$0x18000] =	vst v63  }
.LBB2_17:
0x1d1: {  	_ =	sfence.sel $0x180000  }
0x1d2: {  	[bflag:$0x0] =	sbarrier.arrive $0xFFFF  }
0x1d3: {  	_ =	strace $0x9000004A  }
0x1d4: {  	s0 =	stileid.u32;
	[bflag:$0x2] =	sbarrier.arrive $0xFFFF  }
0x1d5: {  	p0 =	sne.s32 s0, $0x0;
	s0 =	rddreg [dreg:$0x2]  }
0x1d6: {  	s0 =	sadd.s32 @!p0 $0x100000, s0  }
0x1d7: {  	[sflag:s0] =	ssyncadd.tile.s32 @!p0 $0x1;
	_ =	shalt  }
.Lfunc_end2:
_tile_overlayer_lowered:
.L_overlay_start_2:
0x1d8: {  	(tag) =	ssettag $0x2  }
0x1d9: {  	s0 =	rddreg [dreg:$0x0];
	s2 =	stileid.u32  }
0x1da: {  	s1 =	rddreg [dreg:$0x1];
	p0 =	sne.s32 s2, $0x0  }
0x1db: {  	s3 =	rddreg [dreg:$0x2];
	[bflag:$0x3] =	sbarrier.arrive $0xFFFF;
	s2 =	simm.s32 @!p0 $0x1C05  }
0x1dc: {  	[timem:s3], [sflag:s2] =	dma.local @!p0 [hbm:s0], s1  }
0x1dd: {  	s0 =	simm.s32 @!p0 $0x5  }
0x1de: {  	_ =	swait.ge @!p0 [sflag:s0], s1  }
0x1df: {  	s1 =	ssub.s32 @!p0 $0x0, s1;
	[sflag:s0] =	ssyncset.done @!p0 $0x0  }
0x1e0: {  	[sflag:s0] =	ssyncadd.s32 @!p0 s1  }
0x1e1: {  	[bflag:$0x3] =	sbarrier.arrive $0xFFFF  }
0x1e2: {  	_ =	shalt  }

// kernel: sparse-core-data-format-call.cloned.1.call-start
scs
called_computation_lowered:
.L_overlay_start_0:
0x0: {  	s2 =	sld [smem:$0x3FD9]  }
0x1: {  	s3 =	sld [smem:$0x3FFE];
	_ =	sdelay $0x1  }
0x2: {  	s1 =	srdreg.scid  }
0x3: {  	s0 =	sand.u32 $0x1, s1  }
0x4: {  	s19 =	sshll.u32 s0, $0xA;
	s2 =	sadd.s32 s3, s2  }
0x5: {  	s2 =	sadd.s32 s2, s19  }
0x6: {  	[smem:$0x3FC7] =	sst s2  }
0x7: {  	_ = 	snop  }
0x8: {  	s2 =	sld [smem:$0x3FC9]  }
0x9: {  	s20 =	sld [smem:$0x3FD0];
	(tm) =	ssettm $0x1  }
0xa: {  	s4 =	sld [smem:$0x3FFB];
	_ =	sdelay $0x3  }
0xb: {  	_ =	strace s4  }
0xc: {  	s4 =	sld [smem:$0x3FFC];
	_ =	sdelay $0x3  }
0xd: {  	_ =	strace s4  }
0xe: {  	s4 =	sld [smem:$0x3FFD];
	_ =	sdelay $0x3  }
0xf: {  	_ =	strace s4  }
0x10: {  	_ =	strace $0x8FFFFFFF  }
0x11: {  	s21 =	sld [smem:$0x3FDB];
	_ =	sdelay $0x1  }
0x12: {  	s5 =	simm.s32 $_scs_section_size  }
0x13: {  	s6 =	simm.s32 $_size__tile_overlayer_lowered;
	s7 =	simm.s32 $_tile_overlayer_lowered  }
0x14: {  	s24 =	simm.s32 $0x1BFF;
	s23 =	sshll.u32 s7, $0x1;
	s4 =	sadd.s32 s5, s21  }
0x15: {  	s8 =	simm.s32 $0x0;
	s22 =	sshll.u32 s6, $0x1;
	s6 =	sadd.s32 s23, s4  }
0x16: {  	[timem:s8], [sflag:s24] =	dma.local [hbm:s6], s22  }
0x17: {  	_ =	swait.ge [sflag:s24], s22  }
0x18: {  	s5 =	ssub.s32 $0x0, s22;
	[sflag:s24] =	ssyncset.done $0x0  }
0x19: {  	[sflag:s24] =	ssyncadd.s32 s5;
	_ =	sdelay $0x1  }
0x1a: {  	s25 =	simm.s32 $0x1B8B  }
0x1b: {  	_ =	swait.ge [sflag:s25], $0x1  }
0x1c: {  	[sflag:s25] =	ssyncset.done $0x0  }
0x1d: {  	s26 =	simm.s32 $0x1B8E;
	[sflag:s25] =	ssyncadd.s32 $0xFFFFFFFF  }
0x1e: {  	s27 =	simm.s32 $execute0_lowered;
	[smem:$0x3FD2] =	sst s26  }
0x1f: {  	s5 =	sshll.u32 s27, $0x1;
	_ =	strace $0x80000046;
	[dreg:$0x1] =	wrdreg $0xFFFFFFFF  }
0x20: {  	s28 =	simm.s32 $_size_execute0_lowered;
	s4 =	sadd.s32 s4, s5;
	[dreg:$0x0] =	wrdreg $0x0  }
0x21: {  	s5 =	sshll.u32 s28, $0x1;
	[dreg:$0x2] =	wrdreg s4  }
0x22: {  	[dreg:$0x3] =	wrdreg s5  }
0x23: {  	[dreg:$0x4] =	wrdreg $0xC0  }
0x24: {  	_ =	task [dreg:s8], $0x5FFFF  }
0x25: {  	[dreg:$0x1] =	wrdreg $0xFFFFFFFF  }
0x26: {  	[dreg:$0x0] =	wrdreg $0x60  }
0x27: {  	[dreg:$0x2] =	wrdreg s2  }
0x28: {  	[dreg:$0x3] =	wrdreg s20  }
0x29: {  	[dreg:$0x4] =	wrdreg $0x9  }
0x2a: {  	_ =	task.clear_ibuf [dreg:s8], $0x5FFFF;
	_ =	strace $0x90000046  }
0x2b: {  	s29 =	simm.s32 $0x9;
	_ =	strace $0x80000048  }
0x2c: {  	_ =	swait.ge [sflag:s29], $0x1  }
0x2d: {  	[sflag:s29] =	ssyncadd.s32 $0xFFFFFFFF  }
0x2e: {  	_ =	strace $0x90000048  }
0x2f: {  	_ =	sfence  }
0x30: {  	s30 =	sld [smem:$0x0];
	_ =	sdelay $0x2  }
0x31: {  	s31 =	sshll.u32 s1, $0xD;
	s1 =	sshrl.u32 s1, $0x2  }
0x32: {  	s3 =	sand.u32 $0x4000, s31;
	s1 =	sadd.s32 s1, s30  }
0x33: {  	s0 =	sor.u32 s3, s0;
	s1 =	sshll.u32 s1, $0x11  }
0x34: {  	s0 =	sor.u32 s1, s0  }
0x35: {  	s0 =	sadd.s32 $0x8F2B, s0  }
0x36: {  	[sflag:s0] =	ssyncadd.remote.s32 $0x1  }
0x37: {  	_ =	sfence.sel $0xFFFF  }
0x38: {  	[dreg:$0x0] =	wrdreg $0xFFFFFFFF;
	(pc) =	sbr.abs _section_cstart, $3  }
0x39: {  	[dreg:$0x1] =	wrdreg $0xFFFFFFFF  }
0x3a: {  	_ =	task.clear_ibuf [dreg:s8], $0x2FFFF;
	_ =	strace $0x9FFFFFFF  }
0x3b: {  	(tm) =	ssettm $0x7FFFFFFF  }
tec
execute0_lowered:
.L_overlay_start_1:
0x0: {  	(tag) =	ssettag $0x1  }
0x1: {  	s2 =	rddreg [dreg:$0x0]  }
0x2: {  	s3 =	rddreg [dreg:$0x1]  }
0x3: {  	s1 =	srdreg.scid;
	s0 =	rddreg [dreg:$0x2];
	_ =	strace $0x80000047  }
0x4: {  	s5 =	simm.s32 $0x1;
	s7 =	simm.s32 $0x2;
	s13 =	simm.s32 $0x0  }
0x5: {  	p0 =	por $0x0, $0x0;
	s8 =	simm.s32 $0x400;
	s14 =	simm.s32 $0x0  }
.Ltmp0:
0x6: {  	s15 =	simm.s32 $0x0;
	s4 =	sshll.u32 s1, $0x4;
	(pc) =	sbr.rel .LBB1_1-.Ltmp0, $4  }
0x7: {  	s10 =	simm.s32 $0x0;
	s1 =	stileid.u32;
	s4 =	sand.u32 $0x10, s4  }
0x8: {  	s9 =	simm.s32 $0x0;
	[sflag:s5] =	ssyncpa.u1 $0x0;
	s6 =	sor.u32 s1, s4  }
0x9: {  	[sflag:s7] =	ssyncpa.u1 $0x0;
	s4 =	sand.u32 $0x3, s1;
	s6 =	sshrl.u32 s6, $0x2  }
0xa: {  	s7 =	simm.s32 $0x80;
	s12 =	smov.u32 s4;
	s11 =	smov.u32 s6  }
.LBB1_5:
0xb: {  	s16 =	sadd.s32 $0x80, s10  }
0xc: {  	s13 =	sadd.s32 $0x8, s11;
	s17 =	smov.u32 s11;
	p2 =	sgt.s32 s16, $0xFFF  }
0xd: {  	s17 =	smov.u32 @p2 s13  }
0xe: {  	s19 =	smov.u32 s12;
	s13 =	sadd.s32 $0x4, s12;
	p3 =	sgt.s32 s17, $0x7  }
0xf: {  	p1 =	slt.u32 s9, $0x2;
	s19 =	smov.u32 @p3 s13  }
0x10: {  	s9 =	sadd.s32 $0x1, s9;
	s16 =	simm.s32 @p2 $0x0;
	p2 =	sgt.s32 s19, $0x3  }
0x11: {  	s19 =	smov.u32 @p2 s4;
	p2 =	sne.s32 s9, $0x22  }
.Ltmp1:
0x12: {  	s18 =	simm.s32 @!p1 $0x2;
	(pc) =	sbr.rel @!p2 .LBB1_6-.Ltmp1, $4  }
0x13: {  	s14 =	smov.u32 s11;
	_ =	swait.ge @!p1 [sflag:s18], $0x4000  }
0x14: {  	s15 =	smov.u32 s12;
	p0 =	por !p0, !p0;
	[sflag:s18] =	ssyncset.done @!p1 $0x0  }
0x15: {  	s17 =	smov.u32 @p3 s6;
	s13 =	smov.u32 s10;
	[sflag:s18] =	ssyncadd.s32 @!p1 $0xFFFFC000  }
0x16: {  	s10 =	smov.u32 s16;
	s11 =	smov.u32 s17;
	s12 =	smov.u32 s19  }
.LBB1_1:
0x17: {  	p1 =	sgt.u32 s9, $0x1F  }
0x18: {  	s16 =	sxor.u32 @!p1 $0xFFFFFFFF, s9;
	s17 =	sshll.u32 @!p1 s12, $0x13  }
0x19: {  	s18 =	sshll.u32 @!p1 s11, $0x10;
	s19 =	sshll.u32 @!p1 s10, $0x4;
	s17 =	sadd.s32 @!p1 s2, s17  }
0x1a: {  	s16 =	sshll.u32 @!p1 s16, $0xE;
	s19 =	sand.u32 @!p1 $0xFFF0, s19;
	s17 =	sadd.s32 @!p1 s18, s17  }
0x1b: {  	s16 =	sand.u32 @!p1 $0x4000, s16;
	s18 =	simm.s32 @!p1 $0x0;
	s17 =	sadd.s32 @!p1 s19, s17  }
0x1c: {  	[tilespmem:s16], [sflag:$0x1] =	stream.linear.gather @!p1 [hbm4b:s17+s18], $0x4000, $0x38;
	[tilespmem:$0x10000] =	vst v63  }
0x1d: {  	p1 =	seq.s32 s9, $0x0  }
0x1e: {  	p2 =	seq.s32 @!p1 s9, $0x21  }
0x1f: {  	p1 =	por p1, p2  }
.Ltmp2:
0x20: {  	_ = 	snop;
	(pc) =	sbr.rel @p1 .LBB1_5-.Ltmp2, $1  }
0x21: {  	_ =	sdelay $0x3  }
0x22: {  	s16 =	simm.s32 $0x1  }
0x23: {  	s16 =	simm.s32 @!p0 $0x0  }
0x24: {  	s16 =	sshll.u32 s16, $0xE  }
0x25: {  	s17 =	sor.u32 $0x40, s16  }
0x26: {  	v1 =	vmov s17;
	_ =	sdelay $0x1  }
0x27: {  	_ =	swait.ge [sflag:s5], $0x4000  }
0x28: {  	[sflag:s5] =	ssyncset.done $0x0  }
0x29: {  	[sflag:s5] =	ssyncadd.s32 $0xFFFFC000;
	s17 =	simm.s32 $0x0  }
0x2a: {  	s16 =	sor.u32 $0x8070, s16;
	v7 =	vld.idx.msk [tilespmem:v1+s17+$0x30 ss:$0x1], $0xffff  }
0x2b: {  	v0 =	vmov s16;
	v8 =	vld.idx.msk [tilespmem:v1+s17+$0xFFFFFFC0 ss:$0x1], $0xffff  }
0x2c: {  	v6 =	vld.idx.msk [tilespmem:v1+s17+$0xFFFFFFD0 ss:$0x1], $0xffff  }
0x2d: {  	v4 =	vld.idx.msk [tilespmem:v1+s17+$0xFFFFFFE0 ss:$0x1], $0xffff  }
0x2e: {  	v2 =	vld.idx.msk [tilespmem:v1+s17+$0xFFFFFFF0 ss:$0x1], $0xffff  }
0x2f: {  	s31 =	sshll.u32 s9, $0xE;
	v3 =	vld.idx.msk [tilespmem:v1+s17+$0x0 ss:$0x1], $0xffff  }
0x30: {  	s16 =	sand.u32 $0x4000, s31;
	v5 =	vld.idx.msk [tilespmem:v1+s17+$0x10 ss:$0x1], $0xffff;
	[tilespmem:v0+s17+$0x0 ss:$0x1] =	vst.idx.msk $0xffff, v7  }
0x31: {  	s18 =	simm.s32 $0x80;
	s19 =	simm.s32 $0x400;
	s16 =	sor.u32 $0x8000, s16;
	[tilespmem:v0+s17+$0xFFFFFF90 ss:$0x1] =	vst.idx.msk $0xffff, v8;
	v7 =	vld.idx.msk [tilespmem:v1+s17+$0x20 ss:$0x1], $0xffff  }
.LBB1_3:
0x32: {  	p1 =	sne.s32 s19, $0xFE00;
	v8 =	vld.idx.msk [tilespmem:v1+s18+$0x30 ss:$0x1], $0xffff;
	[tilespmem:v0+s17+$0xFFFFFFA0 ss:$0x1] =	vst.idx.msk $0xffff, v6  }
0x33: {  	v9 =	vld.idx.msk [tilespmem:v1+s18+$0xFFFFFFC0 ss:$0x1], $0xffff;
	[tilespmem:v0+s17+$0xFFFFFFB0 ss:$0x1] =	vst.idx.msk $0xffff, v4  }
0x34: {  	v6 =	vld.idx.msk [tilespmem:v1+s18+$0xFFFFFFD0 ss:$0x1], $0xffff;
	[tilespmem:v0+s17+$0xFFFFFFC0 ss:$0x1] =	vst.idx.msk $0xffff, v2  }
.Ltmp3:
0x35: {  	v4 =	vld.idx.msk [tilespmem:v1+s18+$0xFFFFFFE0 ss:$0x1], $0xffff;
	[tilespmem:v0+s17+$0xFFFFFFD0 ss:$0x1] =	vst.idx.msk $0xffff, v3;
	(pc) =	sbr.rel @p1 .LBB1_3-.Ltmp3, $4  }
0x36: {  	v2 =	vld.idx.msk [tilespmem:v1+s18+$0xFFFFFFF0 ss:$0x1], $0xffff;
	[tilespmem:v0+s17+$0xFFFFFFE0 ss:$0x1] =	vst.idx.msk $0xffff, v5  }
0x37: {  	v3 =	vld.idx.msk [tilespmem:v1+s18+$0x0 ss:$0x1], $0xffff;
	[tilespmem:v0+s17+$0xFFFFFFF0 ss:$0x1] =	vst.idx.msk $0xffff, v7;
	s17 =	smov.u32 s18  }
0x38: {  	v5 =	vld.idx.msk [tilespmem:v1+s17+$0x10 ss:$0x1], $0xffff;
	[tilespmem:v0+s17+$0x0 ss:$0x1] =	vst.idx.msk $0xffff, v8  }
0x39: {  	s18 =	sshra.s32 s19, $0x2;
	s19 =	sadd.s32 $0x200, s19;
	[tilespmem:v0+s17+$0xFFFFFF90 ss:$0x1] =	vst.idx.msk $0xffff, v9;
	v7 =	vld.idx.msk [tilespmem:v1+s17+$0x20 ss:$0x1], $0xffff  }
0x3a: {  	_ =	sdelay $0x3  }
0x3b: {  	[tilespmem:v0+s17+$0xFFFFFFA0 ss:$0x1] =	vst.idx.msk $0xffff, v6  }
0x3c: {  	v56 =	vld.idx.msk [tilespmem:v1+s18+$0x30 ss:$0x1], $0xffff;
	[tilespmem:v0+s17+$0xFFFFFFB0 ss:$0x1] =	vst.idx.msk $0xffff, v4  }
0x3d: {  	v57 =	vld.idx.msk [tilespmem:v1+s18+$0xFFFFFFC0 ss:$0x1], $0xffff;
	[tilespmem:v0+s17+$0xFFFFFFC0 ss:$0x1] =	vst.idx.msk $0xffff, v2  }
0x3e: {  	v58 =	vld.idx.msk [tilespmem:v1+s18+$0xFFFFFFD0 ss:$0x1], $0xffff;
	[tilespmem:v0+s17+$0xFFFFFFD0 ss:$0x1] =	vst.idx.msk $0xffff, v3  }
0x3f: {  	v59 =	vld.idx.msk [tilespmem:v1+s18+$0xFFFFFFE0 ss:$0x1], $0xffff;
	[tilespmem:v0+s17+$0xFFFFFFE0 ss:$0x1] =	vst.idx.msk $0xffff, v5  }
0x40: {  	v60 =	vld.idx.msk [tilespmem:v1+s18+$0xFFFFFFF0 ss:$0x1], $0xffff;
	[tilespmem:v0+s17+$0xFFFFFFF0 ss:$0x1] =	vst.idx.msk $0xffff, v7  }
0x41: {  	v61 =	vld.idx.msk [tilespmem:v1+s18+$0x0 ss:$0x1], $0xffff;
	[tilespmem:v0+s18+$0x0 ss:$0x1] =	vst.idx.msk $0xffff, v56  }
0x42: {  	v62 =	vld.idx.msk [tilespmem:v1+s18+$0x10 ss:$0x1], $0xffff;
	[tilespmem:v0+s18+$0xFFFFFF90 ss:$0x1] =	vst.idx.msk $0xffff, v57  }
0x43: {  	v63 =	vld.idx.msk [tilespmem:v1+s18+$0x20 ss:$0x1], $0xffff;
	[tilespmem:v0+s18+$0xFFFFFFA0 ss:$0x1] =	vst.idx.msk $0xffff, v58  }
0x44: {  	[tilespmem:v0+s18+$0xFFFFFFB0 ss:$0x1] =	vst.idx.msk $0xffff, v59  }
.Ltmp4:
0x45: {  	s15 =	sshll.u32 s15, $0x13;
	[tilespmem:v0+s18+$0xFFFFFFC0 ss:$0x1] =	vst.idx.msk $0xffff, v60;
	(pc) =	sbr.rel .LBB1_5-.Ltmp4, $4  }
0x46: {  	s13 =	sshll.u32 s13, $0x7;
	s14 =	sshll.u32 s14, $0x4;
	s15 =	sadd.s32 s3, s15;
	[tilespmem:v0+s18+$0xFFFFFFD0 ss:$0x1] =	vst.idx.msk $0xffff, v61  }
0x47: {  	s14 =	sand.u32 $0x70, s14;
	s13 =	sadd.s32 s13, s15;
	[tilespmem:v0+s18+$0xFFFFFFE0 ss:$0x1] =	vst.idx.msk $0xffff, v62  }
0x48: {  	s13 =	sadd.s32 s14, s13;
	[tilespmem:v0+s18+$0xFFFFFFF0 ss:$0x1] =	vst.idx.msk $0xffff, v63  }
0x49: {  	[hbm4b:s13+s7] =	stream.strided.scatter [tilespmem:s16], [sflag:$0x2], $0x4000, s8, s7, $0x38;
	[tilespmem:$0x10000] =	vst v63  }
.LBB1_6:
0x4a: {  	_ =	sfence.sel $0x180000  }
0x4b: {  	s2 =	simm.s32 $0x1;
	[bflag:$0x0] =	sbarrier.arrive $0xFFFF  }
0x4c: {  	s31 =	simm.s32 $0x2;
	[sflag:s2] =	ssyncpa.u1 $0x1  }
0x4d: {  	[sflag:s31] =	ssyncpa.u1 $0x1  }
0x4e: {  	p0 =	sne.s32 s1, $0x0;
	_ =	strace $0x90000047  }
0x4f: {  	s0 =	sadd.s32 @!p0 $0x100000, s0;
	[bflag:$0x2] =	sbarrier.arrive $0xFFFF  }
0x50: {  	[sflag:s0] =	ssyncadd.tile.s32 @!p0 $0x1;
	_ =	shalt  }
.Lfunc_end1:
_tile_overlayer_lowered:
.L_overlay_start_2:
0x51: {  	(tag) =	ssettag $0x2  }
0x52: {  	s0 =	rddreg [dreg:$0x0];
	s2 =	stileid.u32  }
0x53: {  	s1 =	rddreg [dreg:$0x1];
	p0 =	sne.s32 s2, $0x0  }
0x54: {  	s3 =	rddreg [dreg:$0x2];
	[bflag:$0x3] =	sbarrier.arrive $0xFFFF;
	s2 =	simm.s32 @!p0 $0x1C01  }
0x55: {  	[timem:s3], [sflag:s2] =	dma.local @!p0 [hbm:s0], s1  }
0x56: {  	s0 =	simm.s32 @!p0 $0x1  }
0x57: {  	_ =	swait.ge @!p0 [sflag:s0], s1  }
0x58: {  	s1 =	ssub.s32 @!p0 $0x0, s1;
	[sflag:s0] =	ssyncset.done @!p0 $0x0  }
0x59: {  	[sflag:s0] =	ssyncadd.s32 @!p0 s1  }
0x5a: {  	[bflag:$0x3] =	sbarrier.arrive $0xFFFF  }
0x5b: {  	_ =	shalt  }

</sc_bundles>
